<compile_context>
chip_gen: v7x
topology: tpu7x:2x2x1
jax: 0.10.2.dev20260603
libtpu: 0.0.44.dev20260713+nightly
codegen_flags: <defaults>
</compile_context>

<pallas_src>
import functools

import jax
import jax.numpy as jnp
from jax import lax
from jax.experimental import pallas as pl
from jax.experimental.pallas import tpu as pltpu
from jax.experimental.pallas import tpu_sc as plsc

N = 10000
E = 320000
D = 128

NC = 2
NS = 16
NW = NC * NS

C = 128
WCH = 80
HALF = WCH // 2
PE = NW * WCH * C
NPAD = 10240
STRIPE = NPAD // NS

BT = 1024

_vector_mesh = plsc.VectorSubcoreMesh(core_axis_name="c", subcore_axis_name="s")



def _sc_degree(dst2d, zeros128, ones128):

    @functools.partial(
        pl.kernel,
        out_type=jax.ShapeDtypeStruct((NC, NPAD, D), jnp.float32),
        mesh=_vector_mesh,
        scratch_types=[
            pltpu.VMEM((WCH, C), jnp.int32),
            pltpu.VMEM((C, D), jnp.float32),
            pltpu.VMEM_SHARED((NPAD, D), jnp.float32),
            pltpu.SemaphoreType.DMA,
        ],
    )
    def k(dst_hbm, z_hbm, o_hbm, out_hbm, dstv, ones, hist, sem):
        c = lax.axis_index("c")
        s = lax.axis_index("s")
        wid = s * NC + c

        pltpu.sync_copy(o_hbm, ones)
        pltpu.sync_copy(z_hbm.at[pl.ds(s * STRIPE, STRIPE)],
                        hist.at[pl.ds(s * STRIPE, STRIPE)])
        pltpu.sync_copy(dst_hbm.at[pl.ds(wid * WCH, WCH)], dstv)
        plsc.subcore_barrier()

        @pl.loop(0, WCH)
        def _acc(j):
            pltpu.async_copy(ones, hist.at[dstv.at[j]], sem, add=True)

        @pl.loop(0, WCH)
        def _drain(j):
            pltpu.make_async_copy(ones, hist.at[dstv.at[0]], sem).wait()

        plsc.subcore_barrier()
        pltpu.sync_copy(hist.at[pl.ds(s * STRIPE, STRIPE)],
                        out_hbm.at[c].at[pl.ds(s * STRIPE, STRIPE)])

    return k(dst2d, zeros128, ones128)


def _sc_aggregate(g, src2d, dst2d, zeros128):

    @functools.partial(
        pl.kernel,
        out_type=jax.ShapeDtypeStruct((NC, NPAD, D), jnp.float32),
        mesh=_vector_mesh,
        scratch_types=[
            pltpu.VMEM((HALF, C), jnp.int32),
            pltpu.VMEM((HALF, C), jnp.int32),
            pltpu.VMEM((C, D), jnp.float32),
            pltpu.VMEM((C, D), jnp.float32),
            pltpu.VMEM_SHARED((NPAD, D), jnp.float32),
            pltpu.SemaphoreType.DMA,
            pltpu.SemaphoreType.DMA,
        ],
    )
    def k(g_hbm, src_hbm, dst_hbm, z_hbm, out_hbm, srcv, dstv, buf0, buf1,
          acc, semg0, semg1):
        c = lax.axis_index("c")
        s = lax.axis_index("s")
        wid = s * NC + c

        pltpu.sync_copy(z_hbm.at[pl.ds(s * STRIPE, STRIPE)],
                        acc.at[pl.ds(s * STRIPE, STRIPE)])
        plsc.subcore_barrier()

        @pl.loop(0, 2)
        def _half(h):
            base = wid * WCH + h * HALF
            pltpu.sync_copy(src_hbm.at[pl.ds(base, HALF)], srcv)
            pltpu.sync_copy(dst_hbm.at[pl.ds(base, HALF)], dstv)
            pltpu.async_copy(g_hbm.at[srcv.at[0]], buf0, semg0)

            @pl.loop(0, HALF // 2)
            def _acc(t):
                j0 = 2 * t
                j1 = 2 * t + 1
                j2 = jnp.minimum(j0 + 2, HALF - 1)
                pltpu.async_copy(g_hbm.at[srcv.at[j1]], buf1, semg1)
                pltpu.make_async_copy(g_hbm.at[srcv.at[j0]], buf0, semg0).wait()
                pltpu.sync_copy(buf0, acc.at[dstv.at[j0]], add=True)
                pltpu.async_copy(g_hbm.at[srcv.at[j2]], buf0, semg0)
                pltpu.make_async_copy(g_hbm.at[srcv.at[j1]], buf1, semg1).wait()
                pltpu.sync_copy(buf1, acc.at[dstv.at[j1]], add=True)

            pltpu.make_async_copy(g_hbm.at[srcv.at[0]], buf0, semg0).wait()

        plsc.subcore_barrier()
        pltpu.sync_copy(acc.at[pl.ds(s * STRIPE, STRIPE)],
                        out_hbm.at[c].at[pl.ds(s * STRIPE, STRIPE)])

    return k(g, src2d, dst2d, zeros128)



def _dinv_block(h_ref):
    deg = h_ref[0, :, 0:1] + h_ref[1, :, 0:1] + 1.0
    return lax.rsqrt(deg)


def _tc_pre(xp, W1, hist):

    def body(x_ref, w_ref, h_ref, o_ref):
        dinv = _dinv_block(h_ref)
        o_ref[...] = dinv * jnp.dot(x_ref[...], w_ref[...],
                                    preferred_element_type=jnp.float32,
                                    precision=lax.Precision.HIGHEST)

    return pl.pallas_call(
        body,
        grid=(NPAD // BT,),
        in_specs=[
            pl.BlockSpec((BT, D), lambda i: (i, 0)),
            pl.BlockSpec((D, D), lambda i: (0, 0)),
            pl.BlockSpec((NC, BT, D), lambda i: (0, i, 0)),
        ],
        out_specs=pl.BlockSpec((BT, D), lambda i: (i, 0)),
        out_shape=jax.ShapeDtypeStruct((NPAD, D), jnp.float32),
    )(xp, W1, hist)


def _tc_mid(acc1, g1, hist, b1, W2):

    def body(a_ref, g_ref, h_ref, b_ref, w_ref, o_ref):
        dinv = _dinv_block(h_ref)
        y = dinv * (a_ref[0] + a_ref[1] + g_ref[...]) + b_ref[...]
        y = jnp.maximum(y, 0.0)
        o_ref[...] = dinv * jnp.dot(y, w_ref[...],
                                    preferred_element_type=jnp.float32,
                                    precision=lax.Precision.HIGHEST)

    return pl.pallas_call(
        body,
        grid=(NPAD // BT,),
        in_specs=[
            pl.BlockSpec((NC, BT, D), lambda i: (0, i, 0)),
            pl.BlockSpec((BT, D), lambda i: (i, 0)),
            pl.BlockSpec((NC, BT, D), lambda i: (0, i, 0)),
            pl.BlockSpec((1, D), lambda i: (0, 0)),
            pl.BlockSpec((D, D), lambda i: (0, 0)),
        ],
        out_specs=pl.BlockSpec((BT, D), lambda i: (i, 0)),
        out_shape=jax.ShapeDtypeStruct((NPAD, D), jnp.float32),
    )(acc1, g1, hist, b1, W2)


def _tc_post(acc2, g2, hist, b2):

    def body(a_ref, g_ref, h_ref, b_ref, o_ref):
        dinv = _dinv_block(h_ref)
        o_ref[...] = dinv * (a_ref[0] + a_ref[1] + g_ref[...]) + b_ref[...]

    return pl.pallas_call(
        body,
        grid=(NPAD // BT,),
        in_specs=[
            pl.BlockSpec((NC, BT, D), lambda i: (0, i, 0)),
            pl.BlockSpec((BT, D), lambda i: (i, 0)),
            pl.BlockSpec((NC, BT, D), lambda i: (0, i, 0)),
            pl.BlockSpec((1, D), lambda i: (0, 0)),
        ],
        out_specs=pl.BlockSpec((BT, D), lambda i: (i, 0)),
        out_shape=jax.ShapeDtypeStruct((NPAD, D), jnp.float32),
    )(acc2, g2, hist, b2)



def kernel(x, edge_index, W1, b1, W2, b2):
    src = edge_index[0].astype(jnp.int32)
    dst = edge_index[1].astype(jnp.int32)

    pad = PE - E
    dummy = N + (jnp.arange(pad, dtype=jnp.int32) % (NPAD - N))
    src2d = jnp.concatenate([src, dummy]).reshape(PE // C, C)
    dst2d = jnp.concatenate([dst, dummy]).reshape(PE // C, C)

    zeros128 = jnp.zeros((NPAD, D), jnp.float32)
    ones128 = jnp.ones((C, D), jnp.float32)
    xp = jnp.concatenate([x, jnp.zeros((NPAD - N, D), jnp.float32)])
    b1r = b1.reshape(1, D)
    b2r = b2.reshape(1, D)

    hist = _sc_degree(dst2d, zeros128, ones128)
    g1 = _tc_pre(xp, W1, hist)
    acc1 = _sc_aggregate(g1, src2d, dst2d, zeros128)
    g2 = _tc_mid(acc1, g1, hist, b1r, W2)
    acc2 = _sc_aggregate(g2, src2d, dst2d, zeros128)
    return _tc_post(acc2, g2, hist, b2r)[:N]

# --- scband reference (transcript-rebuilt; emitter-appended) ---
"""Pipeline reference for scband-shared-gcnencoder-69681549410755 (READ-ONLY COPY).

The authoritative reference and input builder live on the scoring server;
editing this copy changes nothing except your own understanding.
"""

import jax, jax.numpy as jnp
import numpy as np

N_NODES = 10000
N_EDGES = 320000
D_IN = 128
D_HID = 128
D_OUT = 128


def glorot(key, shape):
    lim = np.sqrt(6.0 / (shape[0] + shape[1]))
    return jax.random.uniform(key, shape, dtype=jnp.float32, minval=-lim, maxval=lim)


def setup_inputs(seed: int = 0) -> dict:
    key = jax.random.key(seed)
    k1, k2, k3, k4 = jax.random.split(key, 4)
    x = jax.random.normal(k1, (N_NODES, D_IN), dtype=jnp.float32)
    edge_index = jax.random.randint(k2, (2, N_EDGES), 0, N_NODES, dtype=jnp.int64)
    W1 = glorot(k3, (D_IN, D_HID))
    b1 = jnp.zeros((D_HID,), dtype=jnp.float32)
    W2 = glorot(k4, (D_HID, D_OUT))
    b2 = jnp.zeros((D_OUT,), dtype=jnp.float32)
    return {"x": x, "edge_index": edge_index, "W1": W1, "b1": b1, "W2": W2, "b2": b2}


def gcn_conv(x, src, dst, W, b):
    # GCNConv with added self-loops and symmetric normalization (PyG semantics)
    n = x.shape[0]
    deg = jnp.zeros((n,), dtype=jnp.float32).at[dst].add(1.0)
    dinv = jnp.where(deg > 0, jax.lax.rsqrt(deg), 0.0)
    norm = dinv[src] * dinv[dst]
    h = x @ W
    msg = h[src] * norm[:, None]
    out = jnp.zeros((n, W.shape[1]), dtype=x.dtype).at[dst].add(msg)
    return out + b


def reference(x, edge_index, W1, b1, W2, b2):
    n = x.shape[0]
    loop = jnp.arange(n, dtype=edge_index.dtype)
    src = jnp.concatenate([edge_index[0], loop])
    dst = jnp.concatenate([edge_index[1], loop])
    h = jax.nn.relu(gcn_conv(x, src, dst, W1, b1))
    z = gcn_conv(h, src, dst, W2, b2)
    return z

if __name__ == "__main__":
    import jax
    _d = setup_inputs()
    print(jax.jit(kernel)(*tuple(_d.values())))

</pallas_src>

<mosaic_0001>
#map = affine_map<(d0, d1) -> (0, 0)>
#map1 = affine_map<(d0, d1) -> (0, 0, 0)>
module attributes {stable_mosaic.version = 14 : i64} {
  func.func @k(%arg0: i32, %arg1: i32, %arg2: memref<10240x128xf32, #tpu.memory_space<hbm>>, %arg3: memref<2560x128xi32, #tpu.memory_space<hbm>>, %arg4: memref<2560x128xi32, #tpu.memory_space<hbm>>, %arg5: memref<10240x128xf32, #tpu.memory_space<hbm>>, %arg6: memref<2x10240x128xf32, #tpu.memory_space<hbm>>, %arg7: memref<40x128xi32, #tpu.memory_space<vmem>>, %arg8: memref<40x128xi32, #tpu.memory_space<vmem>>, %arg9: memref<128x128xf32, #tpu.memory_space<vmem>>, %arg10: memref<128x128xf32, #tpu.memory_space<vmem>>, %arg11: memref<10240x128xf32, #tpu.memory_space<vmem_shared>>, %arg12: memref<!tpu.dma_semaphore, #tpu.memory_space<semaphore_mem>>, %arg13: memref<!tpu.dma_semaphore, #tpu.memory_space<semaphore_mem>>) attributes {dimension_semantics = [#tpu.dimension_semantics<core_parallel>, #tpu.dimension_semantics<subcore_parallel>], iteration_bounds = array<i64: 2, 16>, scalar_prefetch = 0 : i64, scratch_operands = 7 : i64, tpu.core_type = #tpu.core_type<sc_vector_subcore>, window_params = [{transform_indices = #map}, {transform_indices = #map}, {transform_indices = #map}, {transform_indices = #map}, {transform_indices = #map1}]} {
    %mul3A = arith.constant 2 : i32
    %mul3A_0 = arith.muli %arg1, %mul3A : i32
    %add3A = arith.addi %mul3A_0, %arg0 : i32
    %mul3A_1 = arith.constant 640 : i32
    %mul3A_2 = arith.muli %arg1, %mul3A_1 : i32
    %mul3A_3 = arith.constant 640 : i32
    %mul3A_4 = arith.muli %arg1, %mul3A_3 : i32
    "tpu.region"() ({
      %run_scoped3A = tpu.sem_alloc : memref<!tpu.dma_semaphore, #tpu.memory_space<semaphore_mem>>
      %dma_start3A = arith.constant 0 : i32
      %dma_start3A_14 = tpu.memref_slice %arg11[%mul3A_4, %dma_start3A] : memref<10240x128xf32, #tpu.memory_space<vmem_shared>> -> memref<640x128xf32, #tpu.memory_space<vmem_shared>>
      %dma_start3A_15 = arith.constant 0 : i32
      %dma_start3A_16 = tpu.memref_slice %arg5[%mul3A_2, %dma_start3A_15] : memref<10240x128xf32, #tpu.memory_space<hbm>> -> memref<640x128xf32, #tpu.memory_space<hbm>>
      tpu.enqueue_dma source(%dma_start3A_16 : memref<640x128xf32, #tpu.memory_space<hbm>>) target(%dma_start3A_14 : memref<640x128xf32, #tpu.memory_space<vmem_shared>>) target_semaphore(%run_scoped3A : memref<!tpu.dma_semaphore, #tpu.memory_space<semaphore_mem>>)
      %dma_wait3A = arith.constant 0 : i32
      %dma_wait3A_17 = tpu.memref_slice %arg11[%mul3A_4, %dma_wait3A] : memref<10240x128xf32, #tpu.memory_space<vmem_shared>> -> memref<640x128xf32, #tpu.memory_space<vmem_shared>>
      %dma_wait3A_18 = arith.constant 0 : i32
      %dma_wait3A_19 = tpu.memref_slice %arg5[%mul3A_2, %dma_wait3A_18] : memref<10240x128xf32, #tpu.memory_space<hbm>> -> memref<640x128xf32, #tpu.memory_space<hbm>>
      tpu.wait_dma2 semaphore(%run_scoped3A : memref<!tpu.dma_semaphore, #tpu.memory_space<semaphore_mem>>) src(%dma_wait3A_19 : memref<640x128xf32, #tpu.memory_space<hbm>>) dst(%dma_wait3A_17 : memref<640x128xf32, #tpu.memory_space<vmem_shared>>)
      tpu.yield
    }) : () -> ()
    %barrier3A = arith.constant 0 : index
    tpu.barrier barrier_id(%barrier3A)
    %scan3A = arith.constant 0 : i32
    %scan3A_5 = arith.constant 2 : i32
    %scan3A_6 = arith.addi %scan3A, %scan3A_5 : i32
    %scan3A_7 = arith.constant 1 : i32
    scf.for %scan3A_14 = %scan3A to %scan3A_6 step %scan3A_7  : i32 {
      %mul3A_15 = arith.constant 1 : i32
      %mul3A_16 = arith.muli %scan3A_14, %mul3A_15 : i32
      %add3A_17 = arith.constant 0 : i32
      %add3A_18 = arith.addi %add3A_17, %mul3A_16 : i32
      %mul3A_19 = arith.constant 80 : i32
      %mul3A_20 = arith.muli %add3A, %mul3A_19 : i32
      %mul3A_21 = arith.constant 40 : i32
      %mul3A_22 = arith.muli %add3A_18, %mul3A_21 : i32
      %add3A_23 = arith.addi %mul3A_20, %mul3A_22 : i32
      "tpu.region"() ({
        %run_scoped3A = tpu.sem_alloc : memref<!tpu.dma_semaphore, #tpu.memory_space<semaphore_mem>>
        %dma_start3A_41 = arith.constant 0 : i32
        %dma_start3A_42 = tpu.memref_slice %arg3[%add3A_23, %dma_start3A_41] : memref<2560x128xi32, #tpu.memory_space<hbm>> -> memref<40x128xi32, #tpu.memory_space<hbm>>
        %dma_start3A_43 = arith.constant 0 : i32
        %dma_start3A_44 = tpu.memref_slice %arg3[%add3A_23, %dma_start3A_43] : memref<2560x128xi32, #tpu.memory_space<hbm>> -> memref<40x128xi32, #tpu.memory_space<hbm>>
        tpu.enqueue_dma source(%dma_start3A_44 : memref<40x128xi32, #tpu.memory_space<hbm>>) target(%arg7 : memref<40x128xi32, #tpu.memory_space<vmem>>) target_semaphore(%run_scoped3A : memref<!tpu.dma_semaphore, #tpu.memory_space<semaphore_mem>>)
        %dma_wait3A_45 = arith.constant 0 : i32
        %dma_wait3A_46 = tpu.memref_slice %arg3[%add3A_23, %dma_wait3A_45] : memref<2560x128xi32, #tpu.memory_space<hbm>> -> memref<40x128xi32, #tpu.memory_space<hbm>>
        %dma_wait3A_47 = arith.constant 0 : i32
        %dma_wait3A_48 = tpu.memref_slice %arg3[%add3A_23, %dma_wait3A_47] : memref<2560x128xi32, #tpu.memory_space<hbm>> -> memref<40x128xi32, #tpu.memory_space<hbm>>
        tpu.wait_dma2 semaphore(%run_scoped3A : memref<!tpu.dma_semaphore, #tpu.memory_space<semaphore_mem>>) src(%dma_wait3A_48 : memref<40x128xi32, #tpu.memory_space<hbm>>) dst(%arg7 : memref<40x128xi32, #tpu.memory_space<vmem>>)
        tpu.yield
      }) : () -> ()
      "tpu.region"() ({
        %run_scoped3A = tpu.sem_alloc : memref<!tpu.dma_semaphore, #tpu.memory_space<semaphore_mem>>
        %dma_start3A_41 = arith.constant 0 : i32
        %dma_start3A_42 = tpu.memref_slice %arg4[%add3A_23, %dma_start3A_41] : memref<2560x128xi32, #tpu.memory_space<hbm>> -> memref<40x128xi32, #tpu.memory_space<hbm>>
        %dma_start3A_43 = arith.constant 0 : i32
        %dma_start3A_44 = tpu.memref_slice %arg4[%add3A_23, %dma_start3A_43] : memref<2560x128xi32, #tpu.memory_space<hbm>> -> memref<40x128xi32, #tpu.memory_space<hbm>>
        tpu.enqueue_dma source(%dma_start3A_44 : memref<40x128xi32, #tpu.memory_space<hbm>>) target(%arg8 : memref<40x128xi32, #tpu.memory_space<vmem>>) target_semaphore(%run_scoped3A : memref<!tpu.dma_semaphore, #tpu.memory_space<semaphore_mem>>)
        %dma_wait3A_45 = arith.constant 0 : i32
        %dma_wait3A_46 = tpu.memref_slice %arg4[%add3A_23, %dma_wait3A_45] : memref<2560x128xi32, #tpu.memory_space<hbm>> -> memref<40x128xi32, #tpu.memory_space<hbm>>
        %dma_wait3A_47 = arith.constant 0 : i32
        %dma_wait3A_48 = tpu.memref_slice %arg4[%add3A_23, %dma_wait3A_47] : memref<2560x128xi32, #tpu.memory_space<hbm>> -> memref<40x128xi32, #tpu.memory_space<hbm>>
        tpu.wait_dma2 semaphore(%run_scoped3A : memref<!tpu.dma_semaphore, #tpu.memory_space<semaphore_mem>>) src(%dma_wait3A_48 : memref<40x128xi32, #tpu.memory_space<hbm>>) dst(%arg8 : memref<40x128xi32, #tpu.memory_space<vmem>>)
        tpu.yield
      }) : () -> ()
      %dma_start3A = arith.constant 0 : i32
      %dma_start3A_24 = arith.constant 0 : i32
      %dma_start3A_25 = tpu.memref_slice %arg7[%dma_start3A, %dma_start3A_24] : memref<40x128xi32, #tpu.memory_space<vmem>> -> memref<1x128xi32, #tpu.memory_space<vmem>>
      %dma_start3A_26 = tpu.memref_squeeze %dma_start3A_25 : memref<1x128xi32, #tpu.memory_space<vmem>> -> memref<128xi32, #tpu.memory_space<vmem>>
      %dma_start3A_27 = arith.constant 0 : i32
      %dma_start3A_28 = arith.constant 0 : i32
      %dma_start3A_29 = tpu.memref_slice %arg2[%dma_start3A_27, %dma_start3A_28] : memref<10240x128xf32, #tpu.memory_space<hbm>> -> memref<10240x128xf32, #tpu.memory_space<hbm>>
      tpu.enqueue_indirect_dma source(%dma_start3A_29 : memref<10240x128xf32, #tpu.memory_space<hbm>>) target(%arg9 : memref<128x128xf32, #tpu.memory_space<vmem>>) offsets(%dma_start3A_26 : memref<128xi32, #tpu.memory_space<vmem>>) semaphore(%arg12 : memref<!tpu.dma_semaphore, #tpu.memory_space<semaphore_mem>>)
      %scan3A_30 = arith.constant 0 : i32
      %scan3A_31 = arith.constant 20 : i32
      %scan3A_32 = arith.addi %scan3A_30, %scan3A_31 : i32
      %scan3A_33 = arith.constant 1 : i32
      scf.for %scan3A_41 = %scan3A_30 to %scan3A_32 step %scan3A_33  : i32 {
        %mul3A_42 = arith.constant 1 : i32
        %mul3A_43 = arith.muli %scan3A_41, %mul3A_42 : i32
        %add3A_44 = arith.constant 0 : i32
        %add3A_45 = arith.addi %add3A_44, %mul3A_43 : i32
        %mul3A_46 = arith.constant 2 : i32
        %mul3A_47 = arith.muli %mul3A_46, %add3A_45 : i32
        %mul3A_48 = arith.constant 2 : i32
        %mul3A_49 = arith.muli %mul3A_48, %add3A_45 : i32
        %add3A_50 = arith.constant 1 : i32
        %add3A_51 = arith.addi %mul3A_49, %add3A_50 : i32
        %add3A_52 = arith.constant 2 : i32
        %add3A_53 = arith.addi %mul3A_47, %add3A_52 : i32
        %min3A = arith.constant 39 : i32
        %min3A_54 = arith.minsi %add3A_53, %min3A : i32
        %dma_start3A_55 = arith.constant 0 : i32
        %dma_start3A_56 = tpu.memref_slice %arg7[%add3A_51, %dma_start3A_55] : memref<40x128xi32, #tpu.memory_space<vmem>> -> memref<1x128xi32, #tpu.memory_space<vmem>>
        %dma_start3A_57 = tpu.memref_squeeze %dma_start3A_56 : memref<1x128xi32, #tpu.memory_space<vmem>> -> memref<128xi32, #tpu.memory_space<vmem>>
        %dma_start3A_58 = arith.constant 0 : i32
        %dma_start3A_59 = arith.constant 0 : i32
        %dma_start3A_60 = tpu.memref_slice %arg2[%dma_start3A_58, %dma_start3A_59] : memref<10240x128xf32, #tpu.memory_space<hbm>> -> memref<10240x128xf32, #tpu.memory_space<hbm>>
        tpu.enqueue_indirect_dma source(%dma_start3A_60 : memref<10240x128xf32, #tpu.memory_space<hbm>>) target(%arg10 : memref<128x128xf32, #tpu.memory_space<vmem>>) offsets(%dma_start3A_57 : memref<128xi32, #tpu.memory_space<vmem>>) semaphore(%arg13 : memref<!tpu.dma_semaphore, #tpu.memory_space<semaphore_mem>>)
        %dma_wait3A_61 = arith.constant 0 : i32
        %dma_wait3A_62 = tpu.memref_slice %arg7[%mul3A_47, %dma_wait3A_61] : memref<40x128xi32, #tpu.memory_space<vmem>> -> memref<1x128xi32, #tpu.memory_space<vmem>>
        %dma_wait3A_63 = tpu.memref_squeeze %dma_wait3A_62 : memref<1x128xi32, #tpu.memory_space<vmem>> -> memref<128xi32, #tpu.memory_space<vmem>>
        %dma_wait3A_64 = arith.constant 0 : i32
        %dma_wait3A_65 = arith.constant 0 : i32
        %dma_wait3A_66 = tpu.memref_slice %arg2[%dma_wait3A_64, %dma_wait3A_65] : memref<10240x128xf32, #tpu.memory_space<hbm>> -> memref<10240x128xf32, #tpu.memory_space<hbm>>
        tpu.wait_indirect_dma semaphore(%arg12 : memref<!tpu.dma_semaphore, #tpu.memory_space<semaphore_mem>>) src(%dma_wait3A_66 : memref<10240x128xf32, #tpu.memory_space<hbm>>) dst(%arg9 : memref<128x128xf32, #tpu.memory_space<vmem>>)
        "tpu.region"() ({
          %run_scoped3A = tpu.sem_alloc : memref<!tpu.dma_semaphore, #tpu.memory_space<semaphore_mem>>
          %dma_start3A_79 = arith.constant 0 : i32
          %dma_start3A_80 = tpu.memref_slice %arg8[%mul3A_47, %dma_start3A_79] : memref<40x128xi32, #tpu.memory_space<vmem>> -> memref<1x128xi32, #tpu.memory_space<vmem>>
          %dma_start3A_81 = tpu.memref_squeeze %dma_start3A_80 : memref<1x128xi32, #tpu.memory_space<vmem>> -> memref<128xi32, #tpu.memory_space<vmem>>
          %dma_start3A_82 = arith.constant 0 : i32
          %dma_start3A_83 = arith.constant 0 : i32
          %dma_start3A_84 = tpu.memref_slice %arg11[%dma_start3A_82, %dma_start3A_83] : memref<10240x128xf32, #tpu.memory_space<vmem_shared>> -> memref<10240x128xf32, #tpu.memory_space<vmem_shared>>
          tpu.enqueue_indirect_dma source(%arg9 : memref<128x128xf32, #tpu.memory_space<vmem>>) target(%dma_start3A_84 : memref<10240x128xf32, #tpu.memory_space<vmem_shared>>) offsets(%dma_start3A_81 : memref<128xi32, #tpu.memory_space<vmem>>) semaphore(%run_scoped3A : memref<!tpu.dma_semaphore, #tpu.memory_space<semaphore_mem>>) {add = true}
          %dma_wait3A_85 = arith.constant 0 : i32
          %dma_wait3A_86 = tpu.memref_slice %arg8[%mul3A_47, %dma_wait3A_85] : memref<40x128xi32, #tpu.memory_space<vmem>> -> memref<1x128xi32, #tpu.memory_space<vmem>>
          %dma_wait3A_87 = tpu.memref_squeeze %dma_wait3A_86 : memref<1x128xi32, #tpu.memory_space<vmem>> -> memref<128xi32, #tpu.memory_space<vmem>>
          %dma_wait3A_88 = arith.constant 0 : i32
          %dma_wait3A_89 = arith.constant 0 : i32
          %dma_wait3A_90 = tpu.memref_slice %arg11[%dma_wait3A_88, %dma_wait3A_89] : memref<10240x128xf32, #tpu.memory_space<vmem_shared>> -> memref<10240x128xf32, #tpu.memory_space<vmem_shared>>
          tpu.wait_indirect_dma semaphore(%run_scoped3A : memref<!tpu.dma_semaphore, #tpu.memory_space<semaphore_mem>>) src(%arg9 : memref<128x128xf32, #tpu.memory_space<vmem>>) dst(%dma_wait3A_90 : memref<10240x128xf32, #tpu.memory_space<vmem_shared>>)
          tpu.yield
        }) : () -> ()
        %dma_start3A_67 = arith.constant 0 : i32
        %dma_start3A_68 = tpu.memref_slice %arg7[%min3A_54, %dma_start3A_67] : memref<40x128xi32, #tpu.memory_space<vmem>> -> memref<1x128xi32, #tpu.memory_space<vmem>>
        %dma_start3A_69 = tpu.memref_squeeze %dma_start3A_68 : memref<1x128xi32, #tpu.memory_space<vmem>> -> memref<128xi32, #tpu.memory_space<vmem>>
        %dma_start3A_70 = arith.constant 0 : i32
        %dma_start3A_71 = arith.constant 0 : i32
        %dma_start3A_72 = tpu.memref_slice %arg2[%dma_start3A_70, %dma_start3A_71] : memref<10240x128xf32, #tpu.memory_space<hbm>> -> memref<10240x128xf32, #tpu.memory_space<hbm>>
        tpu.enqueue_indirect_dma source(%dma_start3A_72 : memref<10240x128xf32, #tpu.memory_space<hbm>>) target(%arg9 : memref<128x128xf32, #tpu.memory_space<vmem>>) offsets(%dma_start3A_69 : memref<128xi32, #tpu.memory_space<vmem>>) semaphore(%arg12 : memref<!tpu.dma_semaphore, #tpu.memory_space<semaphore_mem>>)
        %dma_wait3A_73 = arith.constant 0 : i32
        %dma_wait3A_74 = tpu.memref_slice %arg7[%add3A_51, %dma_wait3A_73] : memref<40x128xi32, #tpu.memory_space<vmem>> -> memref<1x128xi32, #tpu.memory_space<vmem>>
        %dma_wait3A_75 = tpu.memref_squeeze %dma_wait3A_74 : memref<1x128xi32, #tpu.memory_space<vmem>> -> memref<128xi32, #tpu.memory_space<vmem>>
        %dma_wait3A_76 = arith.constant 0 : i32
        %dma_wait3A_77 = arith.constant 0 : i32
        %dma_wait3A_78 = tpu.memref_slice %arg2[%dma_wait3A_76, %dma_wait3A_77] : memref<10240x128xf32, #tpu.memory_space<hbm>> -> memref<10240x128xf32, #tpu.memory_space<hbm>>
        tpu.wait_indirect_dma semaphore(%arg13 : memref<!tpu.dma_semaphore, #tpu.memory_space<semaphore_mem>>) src(%dma_wait3A_78 : memref<10240x128xf32, #tpu.memory_space<hbm>>) dst(%arg10 : memref<128x128xf32, #tpu.memory_space<vmem>>)
        "tpu.region"() ({
          %run_scoped3A = tpu.sem_alloc : memref<!tpu.dma_semaphore, #tpu.memory_space<semaphore_mem>>
          %dma_start3A_79 = arith.constant 0 : i32
          %dma_start3A_80 = tpu.memref_slice %arg8[%add3A_51, %dma_start3A_79] : memref<40x128xi32, #tpu.memory_space<vmem>> -> memref<1x128xi32, #tpu.memory_space<vmem>>
          %dma_start3A_81 = tpu.memref_squeeze %dma_start3A_80 : memref<1x128xi32, #tpu.memory_space<vmem>> -> memref<128xi32, #tpu.memory_space<vmem>>
          %dma_start3A_82 = arith.constant 0 : i32
          %dma_start3A_83 = arith.constant 0 : i32
          %dma_start3A_84 = tpu.memref_slice %arg11[%dma_start3A_82, %dma_start3A_83] : memref<10240x128xf32, #tpu.memory_space<vmem_shared>> -> memref<10240x128xf32, #tpu.memory_space<vmem_shared>>
          tpu.enqueue_indirect_dma source(%arg10 : memref<128x128xf32, #tpu.memory_space<vmem>>) target(%dma_start3A_84 : memref<10240x128xf32, #tpu.memory_space<vmem_shared>>) offsets(%dma_start3A_81 : memref<128xi32, #tpu.memory_space<vmem>>) semaphore(%run_scoped3A : memref<!tpu.dma_semaphore, #tpu.memory_space<semaphore_mem>>) {add = true}
          %dma_wait3A_85 = arith.constant 0 : i32
          %dma_wait3A_86 = tpu.memref_slice %arg8[%add3A_51, %dma_wait3A_85] : memref<40x128xi32, #tpu.memory_space<vmem>> -> memref<1x128xi32, #tpu.memory_space<vmem>>
          %dma_wait3A_87 = tpu.memref_squeeze %dma_wait3A_86 : memref<1x128xi32, #tpu.memory_space<vmem>> -> memref<128xi32, #tpu.memory_space<vmem>>
          %dma_wait3A_88 = arith.constant 0 : i32
          %dma_wait3A_89 = arith.constant 0 : i32
          %dma_wait3A_90 = tpu.memref_slice %arg11[%dma_wait3A_88, %dma_wait3A_89] : memref<10240x128xf32, #tpu.memory_space<vmem_shared>> -> memref<10240x128xf32, #tpu.memory_space<vmem_shared>>
          tpu.wait_indirect_dma semaphore(%run_scoped3A : memref<!tpu.dma_semaphore, #tpu.memory_space<semaphore_mem>>) src(%arg10 : memref<128x128xf32, #tpu.memory_space<vmem>>) dst(%dma_wait3A_90 : memref<10240x128xf32, #tpu.memory_space<vmem_shared>>)
          tpu.yield
        }) : () -> ()
      }
      %scan3A_34 = arith.constant 20 : i32
      %dma_wait3A = arith.constant 0 : i32
      %dma_wait3A_35 = arith.constant 0 : i32
      %dma_wait3A_36 = tpu.memref_slice %arg7[%dma_wait3A, %dma_wait3A_35] : memref<40x128xi32, #tpu.memory_space<vmem>> -> memref<1x128xi32, #tpu.memory_space<vmem>>
      %dma_wait3A_37 = tpu.memref_squeeze %dma_wait3A_36 : memref<1x128xi32, #tpu.memory_space<vmem>> -> memref<128xi32, #tpu.memory_space<vmem>>
      %dma_wait3A_38 = arith.constant 0 : i32
      %dma_wait3A_39 = arith.constant 0 : i32
      %dma_wait3A_40 = tpu.memref_slice %arg2[%dma_wait3A_38, %dma_wait3A_39] : memref<10240x128xf32, #tpu.memory_space<hbm>> -> memref<10240x128xf32, #tpu.memory_space<hbm>>
      tpu.wait_indirect_dma semaphore(%arg12 : memref<!tpu.dma_semaphore, #tpu.memory_space<semaphore_mem>>) src(%dma_wait3A_40 : memref<10240x128xf32, #tpu.memory_space<hbm>>) dst(%arg9 : memref<128x128xf32, #tpu.memory_space<vmem>>)
    }
    %scan3A_8 = arith.constant 2 : i32
    %barrier3A_9 = arith.constant 0 : index
    tpu.barrier barrier_id(%barrier3A_9)
    %mul3A_10 = arith.constant 640 : i32
    %mul3A_11 = arith.muli %arg1, %mul3A_10 : i32
    %mul3A_12 = arith.constant 640 : i32
    %mul3A_13 = arith.muli %arg1, %mul3A_12 : i32
    "tpu.region"() ({
      %run_scoped3A = tpu.sem_alloc : memref<!tpu.dma_semaphore, #tpu.memory_space<semaphore_mem>>
      %dma_start3A = arith.constant 0 : i32
      %dma_start3A_14 = arith.constant 0 : i32
      %dma_start3A_15 = tpu.memref_slice %arg6[%arg0, %dma_start3A, %dma_start3A_14] : memref<2x10240x128xf32, #tpu.memory_space<hbm>> -> memref<1x10240x128xf32, #tpu.memory_space<hbm>>
      %dma_start3A_16 = tpu.memref_squeeze %dma_start3A_15 : memref<1x10240x128xf32, #tpu.memory_space<hbm>> -> memref<10240x128xf32, #tpu.memory_space<hbm>>
      %dma_start3A_17 = arith.constant 0 : i32
      %dma_start3A_18 = tpu.memref_slice %dma_start3A_16[%mul3A_13, %dma_start3A_17] : memref<10240x128xf32, #tpu.memory_space<hbm>> -> memref<640x128xf32, #tpu.memory_space<hbm>>
      %dma_start3A_19 = arith.constant 0 : i32
      %dma_start3A_20 = tpu.memref_slice %arg11[%mul3A_11, %dma_start3A_19] : memref<10240x128xf32, #tpu.memory_space<vmem_shared>> -> memref<640x128xf32, #tpu.memory_space<vmem_shared>>
      tpu.enqueue_dma source(%dma_start3A_20 : memref<640x128xf32, #tpu.memory_space<vmem_shared>>) target(%dma_start3A_18 : memref<640x128xf32, #tpu.memory_space<hbm>>) target_semaphore(%run_scoped3A : memref<!tpu.dma_semaphore, #tpu.memory_space<semaphore_mem>>)
      %dma_wait3A = arith.constant 0 : i32
      %dma_wait3A_21 = arith.constant 0 : i32
      %dma_wait3A_22 = tpu.memref_slice %arg6[%arg0, %dma_wait3A, %dma_wait3A_21] : memref<2x10240x128xf32, #tpu.memory_space<hbm>> -> memref<1x10240x128xf32, #tpu.memory_space<hbm>>
      %dma_wait3A_23 = tpu.memref_squeeze %dma_wait3A_22 : memref<1x10240x128xf32, #tpu.memory_space<hbm>> -> memref<10240x128xf32, #tpu.memory_space<hbm>>
      %dma_wait3A_24 = arith.constant 0 : i32
      %dma_wait3A_25 = tpu.memref_slice %dma_wait3A_23[%mul3A_13, %dma_wait3A_24] : memref<10240x128xf32, #tpu.memory_space<hbm>> -> memref<640x128xf32, #tpu.memory_space<hbm>>
      %dma_wait3A_26 = arith.constant 0 : i32
      %dma_wait3A_27 = tpu.memref_slice %arg11[%mul3A_11, %dma_wait3A_26] : memref<10240x128xf32, #tpu.memory_space<vmem_shared>> -> memref<640x128xf32, #tpu.memory_space<vmem_shared>>
      tpu.wait_dma2 semaphore(%run_scoped3A : memref<!tpu.dma_semaphore, #tpu.memory_space<semaphore_mem>>) src(%dma_wait3A_27 : memref<640x128xf32, #tpu.memory_space<vmem_shared>>) dst(%dma_wait3A_25 : memref<640x128xf32, #tpu.memory_space<hbm>>)
      tpu.yield
    }) : () -> ()
    return
  }
}

#map = affine_map<(d0, d1) -> (0, 0)>
#map1 = affine_map<(d0, d1) -> (0, 0, 0)>
module attributes {stable_mosaic.version = 14 : i64} {
  func.func @k(%arg0: i32, %arg1: i32, %arg2: memref<2560x128xi32, #tpu.memory_space<hbm>>, %arg3: memref<10240x128xf32, #tpu.memory_space<hbm>>, %arg4: memref<128x128xf32, #tpu.memory_space<hbm>>, %arg5: memref<2x10240x128xf32, #tpu.memory_space<hbm>>, %arg6: memref<80x128xi32, #tpu.memory_space<vmem>>, %arg7: memref<128x128xf32, #tpu.memory_space<vmem>>, %arg8: memref<10240x128xf32, #tpu.memory_space<vmem_shared>>, %arg9: memref<!tpu.dma_semaphore, #tpu.memory_space<semaphore_mem>>) attributes {dimension_semantics = [#tpu.dimension_semantics<core_parallel>, #tpu.dimension_semantics<subcore_parallel>], iteration_bounds = array<i64: 2, 16>, scalar_prefetch = 0 : i64, scratch_operands = 4 : i64, tpu.core_type = #tpu.core_type<sc_vector_subcore>, window_params = [{transform_indices = #map}, {transform_indices = #map}, {transform_indices = #map}, {transform_indices = #map1}]} {
    %mul3A = arith.constant 2 : i32
    %mul3A_0 = arith.muli %arg1, %mul3A : i32
    %add3A = arith.addi %mul3A_0, %arg0 : i32
    "tpu.region"() ({
      %run_scoped3A = tpu.sem_alloc : memref<!tpu.dma_semaphore, #tpu.memory_space<semaphore_mem>>
      tpu.enqueue_dma source(%arg4 : memref<128x128xf32, #tpu.memory_space<hbm>>) target(%arg7 : memref<128x128xf32, #tpu.memory_space<vmem>>) target_semaphore(%run_scoped3A : memref<!tpu.dma_semaphore, #tpu.memory_space<semaphore_mem>>)
      tpu.wait_dma2 semaphore(%run_scoped3A : memref<!tpu.dma_semaphore, #tpu.memory_space<semaphore_mem>>) src(%arg4 : memref<128x128xf32, #tpu.memory_space<hbm>>) dst(%arg7 : memref<128x128xf32, #tpu.memory_space<vmem>>)
      tpu.yield
    }) : () -> ()
    %mul3A_1 = arith.constant 640 : i32
    %mul3A_2 = arith.muli %arg1, %mul3A_1 : i32
    %mul3A_3 = arith.constant 640 : i32
    %mul3A_4 = arith.muli %arg1, %mul3A_3 : i32
    "tpu.region"() ({
      %run_scoped3A = tpu.sem_alloc : memref<!tpu.dma_semaphore, #tpu.memory_space<semaphore_mem>>
      %dma_start3A = arith.constant 0 : i32
      %dma_start3A_21 = tpu.memref_slice %arg8[%mul3A_4, %dma_start3A] : memref<10240x128xf32, #tpu.memory_space<vmem_shared>> -> memref<640x128xf32, #tpu.memory_space<vmem_shared>>
      %dma_start3A_22 = arith.constant 0 : i32
      %dma_start3A_23 = tpu.memref_slice %arg3[%mul3A_2, %dma_start3A_22] : memref<10240x128xf32, #tpu.memory_space<hbm>> -> memref<640x128xf32, #tpu.memory_space<hbm>>
      tpu.enqueue_dma source(%dma_start3A_23 : memref<640x128xf32, #tpu.memory_space<hbm>>) target(%dma_start3A_21 : memref<640x128xf32, #tpu.memory_space<vmem_shared>>) target_semaphore(%run_scoped3A : memref<!tpu.dma_semaphore, #tpu.memory_space<semaphore_mem>>)
      %dma_wait3A = arith.constant 0 : i32
      %dma_wait3A_24 = tpu.memref_slice %arg8[%mul3A_4, %dma_wait3A] : memref<10240x128xf32, #tpu.memory_space<vmem_shared>> -> memref<640x128xf32, #tpu.memory_space<vmem_shared>>
      %dma_wait3A_25 = arith.constant 0 : i32
      %dma_wait3A_26 = tpu.memref_slice %arg3[%mul3A_2, %dma_wait3A_25] : memref<10240x128xf32, #tpu.memory_space<hbm>> -> memref<640x128xf32, #tpu.memory_space<hbm>>
      tpu.wait_dma2 semaphore(%run_scoped3A : memref<!tpu.dma_semaphore, #tpu.memory_space<semaphore_mem>>) src(%dma_wait3A_26 : memref<640x128xf32, #tpu.memory_space<hbm>>) dst(%dma_wait3A_24 : memref<640x128xf32, #tpu.memory_space<vmem_shared>>)
      tpu.yield
    }) : () -> ()
    %mul3A_5 = arith.constant 80 : i32
    %mul3A_6 = arith.muli %add3A, %mul3A_5 : i32
    "tpu.region"() ({
      %run_scoped3A = tpu.sem_alloc : memref<!tpu.dma_semaphore, #tpu.memory_space<semaphore_mem>>
      %dma_start3A = arith.constant 0 : i32
      %dma_start3A_21 = tpu.memref_slice %arg2[%mul3A_6, %dma_start3A] : memref<2560x128xi32, #tpu.memory_space<hbm>> -> memref<80x128xi32, #tpu.memory_space<hbm>>
      %dma_start3A_22 = arith.constant 0 : i32
      %dma_start3A_23 = tpu.memref_slice %arg2[%mul3A_6, %dma_start3A_22] : memref<2560x128xi32, #tpu.memory_space<hbm>> -> memref<80x128xi32, #tpu.memory_space<hbm>>
      tpu.enqueue_dma source(%dma_start3A_23 : memref<80x128xi32, #tpu.memory_space<hbm>>) target(%arg6 : memref<80x128xi32, #tpu.memory_space<vmem>>) target_semaphore(%run_scoped3A : memref<!tpu.dma_semaphore, #tpu.memory_space<semaphore_mem>>)
      %dma_wait3A = arith.constant 0 : i32
      %dma_wait3A_24 = tpu.memref_slice %arg2[%mul3A_6, %dma_wait3A] : memref<2560x128xi32, #tpu.memory_space<hbm>> -> memref<80x128xi32, #tpu.memory_space<hbm>>
      %dma_wait3A_25 = arith.constant 0 : i32
      %dma_wait3A_26 = tpu.memref_slice %arg2[%mul3A_6, %dma_wait3A_25] : memref<2560x128xi32, #tpu.memory_space<hbm>> -> memref<80x128xi32, #tpu.memory_space<hbm>>
      tpu.wait_dma2 semaphore(%run_scoped3A : memref<!tpu.dma_semaphore, #tpu.memory_space<semaphore_mem>>) src(%dma_wait3A_26 : memref<80x128xi32, #tpu.memory_space<hbm>>) dst(%arg6 : memref<80x128xi32, #tpu.memory_space<vmem>>)
      tpu.yield
    }) : () -> ()
    %barrier3A = arith.constant 0 : index
    tpu.barrier barrier_id(%barrier3A)
    %scan3A = arith.constant 0 : i32
    %scan3A_7 = arith.constant 80 : i32
    %scan3A_8 = arith.addi %scan3A, %scan3A_7 : i32
    %scan3A_9 = arith.constant 1 : i32
    scf.for %scan3A_21 = %scan3A to %scan3A_8 step %scan3A_9  : i32 {
      %mul3A_22 = arith.constant 1 : i32
      %mul3A_23 = arith.muli %scan3A_21, %mul3A_22 : i32
      %add3A_24 = arith.constant 0 : i32
      %add3A_25 = arith.addi %add3A_24, %mul3A_23 : i32
      %dma_start3A = arith.constant 0 : i32
      %dma_start3A_26 = tpu.memref_slice %arg6[%add3A_25, %dma_start3A] : memref<80x128xi32, #tpu.memory_space<vmem>> -> memref<1x128xi32, #tpu.memory_space<vmem>>
      %dma_start3A_27 = tpu.memref_squeeze %dma_start3A_26 : memref<1x128xi32, #tpu.memory_space<vmem>> -> memref<128xi32, #tpu.memory_space<vmem>>
      %dma_start3A_28 = arith.constant 0 : i32
      %dma_start3A_29 = arith.constant 0 : i32
      %dma_start3A_30 = tpu.memref_slice %arg8[%dma_start3A_28, %dma_start3A_29] : memref<10240x128xf32, #tpu.memory_space<vmem_shared>> -> memref<10240x128xf32, #tpu.memory_space<vmem_shared>>
      tpu.enqueue_indirect_dma source(%arg7 : memref<128x128xf32, #tpu.memory_space<vmem>>) target(%dma_start3A_30 : memref<10240x128xf32, #tpu.memory_space<vmem_shared>>) offsets(%dma_start3A_27 : memref<128xi32, #tpu.memory_space<vmem>>) semaphore(%arg9 : memref<!tpu.dma_semaphore, #tpu.memory_space<semaphore_mem>>) {add = true}
    }
    %scan3A_10 = arith.constant 80 : i32
    %scan3A_11 = arith.constant 0 : i32
    %scan3A_12 = arith.constant 80 : i32
    %scan3A_13 = arith.addi %scan3A_11, %scan3A_12 : i32
    %scan3A_14 = arith.constant 1 : i32
    scf.for %scan3A_21 = %scan3A_11 to %scan3A_13 step %scan3A_14  : i32 {
      %mul3A_22 = arith.constant 1 : i32
      %mul3A_23 = arith.muli %scan3A_21, %mul3A_22 : i32
      %add3A_24 = arith.constant 0 : i32
      %add3A_25 = arith.addi %add3A_24, %mul3A_23 : i32
      %dma_wait3A = arith.constant 0 : i32
      %dma_wait3A_26 = arith.constant 0 : i32
      %dma_wait3A_27 = tpu.memref_slice %arg6[%dma_wait3A, %dma_wait3A_26] : memref<80x128xi32, #tpu.memory_space<vmem>> -> memref<1x128xi32, #tpu.memory_space<vmem>>
      %dma_wait3A_28 = tpu.memref_squeeze %dma_wait3A_27 : memref<1x128xi32, #tpu.memory_space<vmem>> -> memref<128xi32, #tpu.memory_space<vmem>>
      %dma_wait3A_29 = arith.constant 0 : i32
      %dma_wait3A_30 = arith.constant 0 : i32
      %dma_wait3A_31 = tpu.memref_slice %arg8[%dma_wait3A_29, %dma_wait3A_30] : memref<10240x128xf32, #tpu.memory_space<vmem_shared>> -> memref<10240x128xf32, #tpu.memory_space<vmem_shared>>
      tpu.wait_indirect_dma semaphore(%arg9 : memref<!tpu.dma_semaphore, #tpu.memory_space<semaphore_mem>>) src(%arg7 : memref<128x128xf32, #tpu.memory_space<vmem>>) dst(%dma_wait3A_31 : memref<10240x128xf32, #tpu.memory_space<vmem_shared>>)
    }
    %scan3A_15 = arith.constant 80 : i32
    %barrier3A_16 = arith.constant 0 : index
    tpu.barrier barrier_id(%barrier3A_16)
    %mul3A_17 = arith.constant 640 : i32
    %mul3A_18 = arith.muli %arg1, %mul3A_17 : i32
    %mul3A_19 = arith.constant 640 : i32
    %mul3A_20 = arith.muli %arg1, %mul3A_19 : i32
    "tpu.region"() ({
      %run_scoped3A = tpu.sem_alloc : memref<!tpu.dma_semaphore, #tpu.memory_space<semaphore_mem>>
      %dma_start3A = arith.constant 0 : i32
      %dma_start3A_21 = arith.constant 0 : i32
      %dma_start3A_22 = tpu.memref_slice %arg5[%arg0, %dma_start3A, %dma_start3A_21] : memref<2x10240x128xf32, #tpu.memory_space<hbm>> -> memref<1x10240x128xf32, #tpu.memory_space<hbm>>
      %dma_start3A_23 = tpu.memref_squeeze %dma_start3A_22 : memref<1x10240x128xf32, #tpu.memory_space<hbm>> -> memref<10240x128xf32, #tpu.memory_space<hbm>>
      %dma_start3A_24 = arith.constant 0 : i32
      %dma_start3A_25 = tpu.memref_slice %dma_start3A_23[%mul3A_20, %dma_start3A_24] : memref<10240x128xf32, #tpu.memory_space<hbm>> -> memref<640x128xf32, #tpu.memory_space<hbm>>
      %dma_start3A_26 = arith.constant 0 : i32
      %dma_start3A_27 = tpu.memref_slice %arg8[%mul3A_18, %dma_start3A_26] : memref<10240x128xf32, #tpu.memory_space<vmem_shared>> -> memref<640x128xf32, #tpu.memory_space<vmem_shared>>
      tpu.enqueue_dma source(%dma_start3A_27 : memref<640x128xf32, #tpu.memory_space<vmem_shared>>) target(%dma_start3A_25 : memref<640x128xf32, #tpu.memory_space<hbm>>) target_semaphore(%run_scoped3A : memref<!tpu.dma_semaphore, #tpu.memory_space<semaphore_mem>>)
      %dma_wait3A = arith.constant 0 : i32
      %dma_wait3A_28 = arith.constant 0 : i32
      %dma_wait3A_29 = tpu.memref_slice %arg5[%arg0, %dma_wait3A, %dma_wait3A_28] : memref<2x10240x128xf32, #tpu.memory_space<hbm>> -> memref<1x10240x128xf32, #tpu.memory_space<hbm>>
      %dma_wait3A_30 = tpu.memref_squeeze %dma_wait3A_29 : memref<1x10240x128xf32, #tpu.memory_space<hbm>> -> memref<10240x128xf32, #tpu.memory_space<hbm>>
      %dma_wait3A_31 = arith.constant 0 : i32
      %dma_wait3A_32 = tpu.memref_slice %dma_wait3A_30[%mul3A_20, %dma_wait3A_31] : memref<10240x128xf32, #tpu.memory_space<hbm>> -> memref<640x128xf32, #tpu.memory_space<hbm>>
      %dma_wait3A_33 = arith.constant 0 : i32
      %dma_wait3A_34 = tpu.memref_slice %arg8[%mul3A_18, %dma_wait3A_33] : memref<10240x128xf32, #tpu.memory_space<vmem_shared>> -> memref<640x128xf32, #tpu.memory_space<vmem_shared>>
      tpu.wait_dma2 semaphore(%run_scoped3A : memref<!tpu.dma_semaphore, #tpu.memory_space<semaphore_mem>>) src(%dma_wait3A_34 : memref<640x128xf32, #tpu.memory_space<vmem_shared>>) dst(%dma_wait3A_32 : memref<640x128xf32, #tpu.memory_space<hbm>>)
      tpu.yield
    }) : () -> ()
    return
  }
}

#map = affine_map<(d0, d1) -> (0, 0)>
#map1 = affine_map<(d0, d1) -> (0, 0, 0)>
module attributes {stable_mosaic.version = 14 : i64} {
  func.func @k(%arg0: i32, %arg1: i32, %arg2: memref<10240x128xf32, #tpu.memory_space<hbm>>, %arg3: memref<2560x128xi32, #tpu.memory_space<hbm>>, %arg4: memref<2560x128xi32, #tpu.memory_space<hbm>>, %arg5: memref<10240x128xf32, #tpu.memory_space<hbm>>, %arg6: memref<2x10240x128xf32, #tpu.memory_space<hbm>>, %arg7: memref<40x128xi32, #tpu.memory_space<vmem>>, %arg8: memref<40x128xi32, #tpu.memory_space<vmem>>, %arg9: memref<128x128xf32, #tpu.memory_space<vmem>>, %arg10: memref<128x128xf32, #tpu.memory_space<vmem>>, %arg11: memref<10240x128xf32, #tpu.memory_space<vmem_shared>>, %arg12: memref<!tpu.dma_semaphore, #tpu.memory_space<semaphore_mem>>, %arg13: memref<!tpu.dma_semaphore, #tpu.memory_space<semaphore_mem>>) attributes {dimension_semantics = [#tpu.dimension_semantics<core_parallel>, #tpu.dimension_semantics<subcore_parallel>], iteration_bounds = array<i64: 2, 16>, scalar_prefetch = 0 : i64, scratch_operands = 7 : i64, tpu.core_type = #tpu.core_type<sc_vector_subcore>, window_params = [{transform_indices = #map}, {transform_indices = #map}, {transform_indices = #map}, {transform_indices = #map}, {transform_indices = #map1}]} {
    %mul3A = arith.constant 2 : i32
    %mul3A_0 = arith.muli %arg1, %mul3A : i32
    %add3A = arith.addi %mul3A_0, %arg0 : i32
    %mul3A_1 = arith.constant 640 : i32
    %mul3A_2 = arith.muli %arg1, %mul3A_1 : i32
    %mul3A_3 = arith.constant 640 : i32
    %mul3A_4 = arith.muli %arg1, %mul3A_3 : i32
    "tpu.region"() ({
      %run_scoped3A = tpu.sem_alloc : memref<!tpu.dma_semaphore, #tpu.memory_space<semaphore_mem>>
      %dma_start3A = arith.constant 0 : i32
      %dma_start3A_14 = tpu.memref_slice %arg11[%mul3A_4, %dma_start3A] : memref<10240x128xf32, #tpu.memory_space<vmem_shared>> -> memref<640x128xf32, #tpu.memory_space<vmem_shared>>
      %dma_start3A_15 = arith.constant 0 : i32
      %dma_start3A_16 = tpu.memref_slice %arg5[%mul3A_2, %dma_start3A_15] : memref<10240x128xf32, #tpu.memory_space<hbm>> -> memref<640x128xf32, #tpu.memory_space<hbm>>
      tpu.enqueue_dma source(%dma_start3A_16 : memref<640x128xf32, #tpu.memory_space<hbm>>) target(%dma_start3A_14 : memref<640x128xf32, #tpu.memory_space<vmem_shared>>) target_semaphore(%run_scoped3A : memref<!tpu.dma_semaphore, #tpu.memory_space<semaphore_mem>>)
      %dma_wait3A = arith.constant 0 : i32
      %dma_wait3A_17 = tpu.memref_slice %arg11[%mul3A_4, %dma_wait3A] : memref<10240x128xf32, #tpu.memory_space<vmem_shared>> -> memref<640x128xf32, #tpu.memory_space<vmem_shared>>
      %dma_wait3A_18 = arith.constant 0 : i32
      %dma_wait3A_19 = tpu.memref_slice %arg5[%mul3A_2, %dma_wait3A_18] : memref<10240x128xf32, #tpu.memory_space<hbm>> -> memref<640x128xf32, #tpu.memory_space<hbm>>
      tpu.wait_dma2 semaphore(%run_scoped3A : memref<!tpu.dma_semaphore, #tpu.memory_space<semaphore_mem>>) src(%dma_wait3A_19 : memref<640x128xf32, #tpu.memory_space<hbm>>) dst(%dma_wait3A_17 : memref<640x128xf32, #tpu.memory_space<vmem_shared>>)
      tpu.yield
    }) : () -> ()
    %barrier3A = arith.constant 0 : index
    tpu.barrier barrier_id(%barrier3A)
    %scan3A = arith.constant 0 : i32
    %scan3A_5 = arith.constant 2 : i32
    %scan3A_6 = arith.addi %scan3A, %scan3A_5 : i32
    %scan3A_7 = arith.constant 1 : i32
    scf.for %scan3A_14 = %scan3A to %scan3A_6 step %scan3A_7  : i32 {
      %mul3A_15 = arith.constant 1 : i32
      %mul3A_16 = arith.muli %scan3A_14, %mul3A_15 : i32
      %add3A_17 = arith.constant 0 : i32
      %add3A_18 = arith.addi %add3A_17, %mul3A_16 : i32
      %mul3A_19 = arith.constant 80 : i32
      %mul3A_20 = arith.muli %add3A, %mul3A_19 : i32
      %mul3A_21 = arith.constant 40 : i32
      %mul3A_22 = arith.muli %add3A_18, %mul3A_21 : i32
      %add3A_23 = arith.addi %mul3A_20, %mul3A_22 : i32
      "tpu.region"() ({
        %run_scoped3A = tpu.sem_alloc : memref<!tpu.dma_semaphore, #tpu.memory_space<semaphore_mem>>
        %dma_start3A_41 = arith.constant 0 : i32
        %dma_start3A_42 = tpu.memref_slice %arg3[%add3A_23, %dma_start3A_41] : memref<2560x128xi32, #tpu.memory_space<hbm>> -> memref<40x128xi32, #tpu.memory_space<hbm>>
        %dma_start3A_43 = arith.constant 0 : i32
        %dma_start3A_44 = tpu.memref_slice %arg3[%add3A_23, %dma_start3A_43] : memref<2560x128xi32, #tpu.memory_space<hbm>> -> memref<40x128xi32, #tpu.memory_space<hbm>>
        tpu.enqueue_dma source(%dma_start3A_44 : memref<40x128xi32, #tpu.memory_space<hbm>>) target(%arg7 : memref<40x128xi32, #tpu.memory_space<vmem>>) target_semaphore(%run_scoped3A : memref<!tpu.dma_semaphore, #tpu.memory_space<semaphore_mem>>)
        %dma_wait3A_45 = arith.constant 0 : i32
        %dma_wait3A_46 = tpu.memref_slice %arg3[%add3A_23, %dma_wait3A_45] : memref<2560x128xi32, #tpu.memory_space<hbm>> -> memref<40x128xi32, #tpu.memory_space<hbm>>
        %dma_wait3A_47 = arith.constant 0 : i32
        %dma_wait3A_48 = tpu.memref_slice %arg3[%add3A_23, %dma_wait3A_47] : memref<2560x128xi32, #tpu.memory_space<hbm>> -> memref<40x128xi32, #tpu.memory_space<hbm>>
        tpu.wait_dma2 semaphore(%run_scoped3A : memref<!tpu.dma_semaphore, #tpu.memory_space<semaphore_mem>>) src(%dma_wait3A_48 : memref<40x128xi32, #tpu.memory_space<hbm>>) dst(%arg7 : memref<40x128xi32, #tpu.memory_space<vmem>>)
        tpu.yield
      }) : () -> ()
      "tpu.region"() ({
        %run_scoped3A = tpu.sem_alloc : memref<!tpu.dma_semaphore, #tpu.memory_space<semaphore_mem>>
        %dma_start3A_41 = arith.constant 0 : i32
        %dma_start3A_42 = tpu.memref_slice %arg4[%add3A_23, %dma_start3A_41] : memref<2560x128xi32, #tpu.memory_space<hbm>> -> memref<40x128xi32, #tpu.memory_space<hbm>>
        %dma_start3A_43 = arith.constant 0 : i32
        %dma_start3A_44 = tpu.memref_slice %arg4[%add3A_23, %dma_start3A_43] : memref<2560x128xi32, #tpu.memory_space<hbm>> -> memref<40x128xi32, #tpu.memory_space<hbm>>
        tpu.enqueue_dma source(%dma_start3A_44 : memref<40x128xi32, #tpu.memory_space<hbm>>) target(%arg8 : memref<40x128xi32, #tpu.memory_space<vmem>>) target_semaphore(%run_scoped3A : memref<!tpu.dma_semaphore, #tpu.memory_space<semaphore_mem>>)
        %dma_wait3A_45 = arith.constant 0 : i32
        %dma_wait3A_46 = tpu.memref_slice %arg4[%add3A_23, %dma_wait3A_45] : memref<2560x128xi32, #tpu.memory_space<hbm>> -> memref<40x128xi32, #tpu.memory_space<hbm>>
        %dma_wait3A_47 = arith.constant 0 : i32
        %dma_wait3A_48 = tpu.memref_slice %arg4[%add3A_23, %dma_wait3A_47] : memref<2560x128xi32, #tpu.memory_space<hbm>> -> memref<40x128xi32, #tpu.memory_space<hbm>>
        tpu.wait_dma2 semaphore(%run_scoped3A : memref<!tpu.dma_semaphore, #tpu.memory_space<semaphore_mem>>) src(%dma_wait3A_48 : memref<40x128xi32, #tpu.memory_space<hbm>>) dst(%arg8 : memref<40x128xi32, #tpu.memory_space<vmem>>)
        tpu.yield
      }) : () -> ()
      %dma_start3A = arith.constant 0 : i32
      %dma_start3A_24 = arith.constant 0 : i32
      %dma_start3A_25 = tpu.memref_slice %arg7[%dma_start3A, %dma_start3A_24] : memref<40x128xi32, #tpu.memory_space<vmem>> -> memref<1x128xi32, #tpu.memory_space<vmem>>
      %dma_start3A_26 = tpu.memref_squeeze %dma_start3A_25 : memref<1x128xi32, #tpu.memory_space<vmem>> -> memref<128xi32, #tpu.memory_space<vmem>>
      %dma_start3A_27 = arith.constant 0 : i32
      %dma_start3A_28 = arith.constant 0 : i32
      %dma_start3A_29 = tpu.memref_slice %arg2[%dma_start3A_27, %dma_start3A_28] : memref<10240x128xf32, #tpu.memory_space<hbm>> -> memref<10240x128xf32, #tpu.memory_space<hbm>>
      tpu.enqueue_indirect_dma source(%dma_start3A_29 : memref<10240x128xf32, #tpu.memory_space<hbm>>) target(%arg9 : memref<128x128xf32, #tpu.memory_space<vmem>>) offsets(%dma_start3A_26 : memref<128xi32, #tpu.memory_space<vmem>>) semaphore(%arg12 : memref<!tpu.dma_semaphore, #tpu.memory_space<semaphore_mem>>)
      %scan3A_30 = arith.constant 0 : i32
      %scan3A_31 = arith.constant 20 : i32
      %scan3A_32 = arith.addi %scan3A_30, %scan3A_31 : i32
      %scan3A_33 = arith.constant 1 : i32
      scf.for %scan3A_41 = %scan3A_30 to %scan3A_32 step %scan3A_33  : i32 {
        %mul3A_42 = arith.constant 1 : i32
        %mul3A_43 = arith.muli %scan3A_41, %mul3A_42 : i32
        %add3A_44 = arith.constant 0 : i32
        %add3A_45 = arith.addi %add3A_44, %mul3A_43 : i32
        %mul3A_46 = arith.constant 2 : i32
        %mul3A_47 = arith.muli %mul3A_46, %add3A_45 : i32
        %mul3A_48 = arith.constant 2 : i32
        %mul3A_49 = arith.muli %mul3A_48, %add3A_45 : i32
        %add3A_50 = arith.constant 1 : i32
        %add3A_51 = arith.addi %mul3A_49, %add3A_50 : i32
        %add3A_52 = arith.constant 2 : i32
        %add3A_53 = arith.addi %mul3A_47, %add3A_52 : i32
        %min3A = arith.constant 39 : i32
        %min3A_54 = arith.minsi %add3A_53, %min3A : i32
        %dma_start3A_55 = arith.constant 0 : i32
        %dma_start3A_56 = tpu.memref_slice %arg7[%add3A_51, %dma_start3A_55] : memref<40x128xi32, #tpu.memory_space<vmem>> -> memref<1x128xi32, #tpu.memory_space<vmem>>
        %dma_start3A_57 = tpu.memref_squeeze %dma_start3A_56 : memref<1x128xi32, #tpu.memory_space<vmem>> -> memref<128xi32, #tpu.memory_space<vmem>>
        %dma_start3A_58 = arith.constant 0 : i32
        %dma_start3A_59 = arith.constant 0 : i32
        %dma_start3A_60 = tpu.memref_slice %arg2[%dma_start3A_58, %dma_start3A_59] : memref<10240x128xf32, #tpu.memory_space<hbm>> -> memref<10240x128xf32, #tpu.memory_space<hbm>>
        tpu.enqueue_indirect_dma source(%dma_start3A_60 : memref<10240x128xf32, #tpu.memory_space<hbm>>) target(%arg10 : memref<128x128xf32, #tpu.memory_space<vmem>>) offsets(%dma_start3A_57 : memref<128xi32, #tpu.memory_space<vmem>>) semaphore(%arg13 : memref<!tpu.dma_semaphore, #tpu.memory_space<semaphore_mem>>)
        %dma_wait3A_61 = arith.constant 0 : i32
        %dma_wait3A_62 = tpu.memref_slice %arg7[%mul3A_47, %dma_wait3A_61] : memref<40x128xi32, #tpu.memory_space<vmem>> -> memref<1x128xi32, #tpu.memory_space<vmem>>
        %dma_wait3A_63 = tpu.memref_squeeze %dma_wait3A_62 : memref<1x128xi32, #tpu.memory_space<vmem>> -> memref<128xi32, #tpu.memory_space<vmem>>
        %dma_wait3A_64 = arith.constant 0 : i32
        %dma_wait3A_65 = arith.constant 0 : i32
        %dma_wait3A_66 = tpu.memref_slice %arg2[%dma_wait3A_64, %dma_wait3A_65] : memref<10240x128xf32, #tpu.memory_space<hbm>> -> memref<10240x128xf32, #tpu.memory_space<hbm>>
        tpu.wait_indirect_dma semaphore(%arg12 : memref<!tpu.dma_semaphore, #tpu.memory_space<semaphore_mem>>) src(%dma_wait3A_66 : memref<10240x128xf32, #tpu.memory_space<hbm>>) dst(%arg9 : memref<128x128xf32, #tpu.memory_space<vmem>>)
        "tpu.region"() ({
          %run_scoped3A = tpu.sem_alloc : memref<!tpu.dma_semaphore, #tpu.memory_space<semaphore_mem>>
          %dma_start3A_79 = arith.constant 0 : i32
          %dma_start3A_80 = tpu.memref_slice %arg8[%mul3A_47, %dma_start3A_79] : memref<40x128xi32, #tpu.memory_space<vmem>> -> memref<1x128xi32, #tpu.memory_space<vmem>>
          %dma_start3A_81 = tpu.memref_squeeze %dma_start3A_80 : memref<1x128xi32, #tpu.memory_space<vmem>> -> memref<128xi32, #tpu.memory_space<vmem>>
          %dma_start3A_82 = arith.constant 0 : i32
          %dma_start3A_83 = arith.constant 0 : i32
          %dma_start3A_84 = tpu.memref_slice %arg11[%dma_start3A_82, %dma_start3A_83] : memref<10240x128xf32, #tpu.memory_space<vmem_shared>> -> memref<10240x128xf32, #tpu.memory_space<vmem_shared>>
          tpu.enqueue_indirect_dma source(%arg9 : memref<128x128xf32, #tpu.memory_space<vmem>>) target(%dma_start3A_84 : memref<10240x128xf32, #tpu.memory_space<vmem_shared>>) offsets(%dma_start3A_81 : memref<128xi32, #tpu.memory_space<vmem>>) semaphore(%run_scoped3A : memref<!tpu.dma_semaphore, #tpu.memory_space<semaphore_mem>>) {add = true}
          %dma_wait3A_85 = arith.constant 0 : i32
          %dma_wait3A_86 = tpu.memref_slice %arg8[%mul3A_47, %dma_wait3A_85] : memref<40x128xi32, #tpu.memory_space<vmem>> -> memref<1x128xi32, #tpu.memory_space<vmem>>
          %dma_wait3A_87 = tpu.memref_squeeze %dma_wait3A_86 : memref<1x128xi32, #tpu.memory_space<vmem>> -> memref<128xi32, #tpu.memory_space<vmem>>
          %dma_wait3A_88 = arith.constant 0 : i32
          %dma_wait3A_89 = arith.constant 0 : i32
          %dma_wait3A_90 = tpu.memref_slice %arg11[%dma_wait3A_88, %dma_wait3A_89] : memref<10240x128xf32, #tpu.memory_space<vmem_shared>> -> memref<10240x128xf32, #tpu.memory_space<vmem_shared>>
          tpu.wait_indirect_dma semaphore(%run_scoped3A : memref<!tpu.dma_semaphore, #tpu.memory_space<semaphore_mem>>) src(%arg9 : memref<128x128xf32, #tpu.memory_space<vmem>>) dst(%dma_wait3A_90 : memref<10240x128xf32, #tpu.memory_space<vmem_shared>>)
          tpu.yield
        }) : () -> ()
        %dma_start3A_67 = arith.constant 0 : i32
        %dma_start3A_68 = tpu.memref_slice %arg7[%min3A_54, %dma_start3A_67] : memref<40x128xi32, #tpu.memory_space<vmem>> -> memref<1x128xi32, #tpu.memory_space<vmem>>
        %dma_start3A_69 = tpu.memref_squeeze %dma_start3A_68 : memref<1x128xi32, #tpu.memory_space<vmem>> -> memref<128xi32, #tpu.memory_space<vmem>>
        %dma_start3A_70 = arith.constant 0 : i32
        %dma_start3A_71 = arith.constant 0 : i32
        %dma_start3A_72 = tpu.memref_slice %arg2[%dma_start3A_70, %dma_start3A_71] : memref<10240x128xf32, #tpu.memory_space<hbm>> -> memref<10240x128xf32, #tpu.memory_space<hbm>>
        tpu.enqueue_indirect_dma source(%dma_start3A_72 : memref<10240x128xf32, #tpu.memory_space<hbm>>) target(%arg9 : memref<128x128xf32, #tpu.memory_space<vmem>>) offsets(%dma_start3A_69 : memref<128xi32, #tpu.memory_space<vmem>>) semaphore(%arg12 : memref<!tpu.dma_semaphore, #tpu.memory_space<semaphore_mem>>)
        %dma_wait3A_73 = arith.constant 0 : i32
        %dma_wait3A_74 = tpu.memref_slice %arg7[%add3A_51, %dma_wait3A_73] : memref<40x128xi32, #tpu.memory_space<vmem>> -> memref<1x128xi32, #tpu.memory_space<vmem>>
        %dma_wait3A_75 = tpu.memref_squeeze %dma_wait3A_74 : memref<1x128xi32, #tpu.memory_space<vmem>> -> memref<128xi32, #tpu.memory_space<vmem>>
        %dma_wait3A_76 = arith.constant 0 : i32
        %dma_wait3A_77 = arith.constant 0 : i32
        %dma_wait3A_78 = tpu.memref_slice %arg2[%dma_wait3A_76, %dma_wait3A_77] : memref<10240x128xf32, #tpu.memory_space<hbm>> -> memref<10240x128xf32, #tpu.memory_space<hbm>>
        tpu.wait_indirect_dma semaphore(%arg13 : memref<!tpu.dma_semaphore, #tpu.memory_space<semaphore_mem>>) src(%dma_wait3A_78 : memref<10240x128xf32, #tpu.memory_space<hbm>>) dst(%arg10 : memref<128x128xf32, #tpu.memory_space<vmem>>)
        "tpu.region"() ({
          %run_scoped3A = tpu.sem_alloc : memref<!tpu.dma_semaphore, #tpu.memory_space<semaphore_mem>>
          %dma_start3A_79 = arith.constant 0 : i32
          %dma_start3A_80 = tpu.memref_slice %arg8[%add3A_51, %dma_start3A_79] : memref<40x128xi32, #tpu.memory_space<vmem>> -> memref<1x128xi32, #tpu.memory_space<vmem>>
          %dma_start3A_81 = tpu.memref_squeeze %dma_start3A_80 : memref<1x128xi32, #tpu.memory_space<vmem>> -> memref<128xi32, #tpu.memory_space<vmem>>
          %dma_start3A_82 = arith.constant 0 : i32
          %dma_start3A_83 = arith.constant 0 : i32
          %dma_start3A_84 = tpu.memref_slice %arg11[%dma_start3A_82, %dma_start3A_83] : memref<10240x128xf32, #tpu.memory_space<vmem_shared>> -> memref<10240x128xf32, #tpu.memory_space<vmem_shared>>
          tpu.enqueue_indirect_dma source(%arg10 : memref<128x128xf32, #tpu.memory_space<vmem>>) target(%dma_start3A_84 : memref<10240x128xf32, #tpu.memory_space<vmem_shared>>) offsets(%dma_start3A_81 : memref<128xi32, #tpu.memory_space<vmem>>) semaphore(%run_scoped3A : memref<!tpu.dma_semaphore, #tpu.memory_space<semaphore_mem>>) {add = true}
          %dma_wait3A_85 = arith.constant 0 : i32
          %dma_wait3A_86 = tpu.memref_slice %arg8[%add3A_51, %dma_wait3A_85] : memref<40x128xi32, #tpu.memory_space<vmem>> -> memref<1x128xi32, #tpu.memory_space<vmem>>
          %dma_wait3A_87 = tpu.memref_squeeze %dma_wait3A_86 : memref<1x128xi32, #tpu.memory_space<vmem>> -> memref<128xi32, #tpu.memory_space<vmem>>
          %dma_wait3A_88 = arith.constant 0 : i32
          %dma_wait3A_89 = arith.constant 0 : i32
          %dma_wait3A_90 = tpu.memref_slice %arg11[%dma_wait3A_88, %dma_wait3A_89] : memref<10240x128xf32, #tpu.memory_space<vmem_shared>> -> memref<10240x128xf32, #tpu.memory_space<vmem_shared>>
          tpu.wait_indirect_dma semaphore(%run_scoped3A : memref<!tpu.dma_semaphore, #tpu.memory_space<semaphore_mem>>) src(%arg10 : memref<128x128xf32, #tpu.memory_space<vmem>>) dst(%dma_wait3A_90 : memref<10240x128xf32, #tpu.memory_space<vmem_shared>>)
          tpu.yield
        }) : () -> ()
      }
      %scan3A_34 = arith.constant 20 : i32
      %dma_wait3A = arith.constant 0 : i32
      %dma_wait3A_35 = arith.constant 0 : i32
      %dma_wait3A_36 = tpu.memref_slice %arg7[%dma_wait3A, %dma_wait3A_35] : memref<40x128xi32, #tpu.memory_space<vmem>> -> memref<1x128xi32, #tpu.memory_space<vmem>>
      %dma_wait3A_37 = tpu.memref_squeeze %dma_wait3A_36 : memref<1x128xi32, #tpu.memory_space<vmem>> -> memref<128xi32, #tpu.memory_space<vmem>>
      %dma_wait3A_38 = arith.constant 0 : i32
      %dma_wait3A_39 = arith.constant 0 : i32
      %dma_wait3A_40 = tpu.memref_slice %arg2[%dma_wait3A_38, %dma_wait3A_39] : memref<10240x128xf32, #tpu.memory_space<hbm>> -> memref<10240x128xf32, #tpu.memory_space<hbm>>
      tpu.wait_indirect_dma semaphore(%arg12 : memref<!tpu.dma_semaphore, #tpu.memory_space<semaphore_mem>>) src(%dma_wait3A_40 : memref<10240x128xf32, #tpu.memory_space<hbm>>) dst(%arg9 : memref<128x128xf32, #tpu.memory_space<vmem>>)
    }
    %scan3A_8 = arith.constant 2 : i32
    %barrier3A_9 = arith.constant 0 : index
    tpu.barrier barrier_id(%barrier3A_9)
    %mul3A_10 = arith.constant 640 : i32
    %mul3A_11 = arith.muli %arg1, %mul3A_10 : i32
    %mul3A_12 = arith.constant 640 : i32
    %mul3A_13 = arith.muli %arg1, %mul3A_12 : i32
    "tpu.region"() ({
      %run_scoped3A = tpu.sem_alloc : memref<!tpu.dma_semaphore, #tpu.memory_space<semaphore_mem>>
      %dma_start3A = arith.constant 0 : i32
      %dma_start3A_14 = arith.constant 0 : i32
      %dma_start3A_15 = tpu.memref_slice %arg6[%arg0, %dma_start3A, %dma_start3A_14] : memref<2x10240x128xf32, #tpu.memory_space<hbm>> -> memref<1x10240x128xf32, #tpu.memory_space<hbm>>
      %dma_start3A_16 = tpu.memref_squeeze %dma_start3A_15 : memref<1x10240x128xf32, #tpu.memory_space<hbm>> -> memref<10240x128xf32, #tpu.memory_space<hbm>>
      %dma_start3A_17 = arith.constant 0 : i32
      %dma_start3A_18 = tpu.memref_slice %dma_start3A_16[%mul3A_13, %dma_start3A_17] : memref<10240x128xf32, #tpu.memory_space<hbm>> -> memref<640x128xf32, #tpu.memory_space<hbm>>
      %dma_start3A_19 = arith.constant 0 : i32
      %dma_start3A_20 = tpu.memref_slice %arg11[%mul3A_11, %dma_start3A_19] : memref<10240x128xf32, #tpu.memory_space<vmem_shared>> -> memref<640x128xf32, #tpu.memory_space<vmem_shared>>
      tpu.enqueue_dma source(%dma_start3A_20 : memref<640x128xf32, #tpu.memory_space<vmem_shared>>) target(%dma_start3A_18 : memref<640x128xf32, #tpu.memory_space<hbm>>) target_semaphore(%run_scoped3A : memref<!tpu.dma_semaphore, #tpu.memory_space<semaphore_mem>>)
      %dma_wait3A = arith.constant 0 : i32
      %dma_wait3A_21 = arith.constant 0 : i32
      %dma_wait3A_22 = tpu.memref_slice %arg6[%arg0, %dma_wait3A, %dma_wait3A_21] : memref<2x10240x128xf32, #tpu.memory_space<hbm>> -> memref<1x10240x128xf32, #tpu.memory_space<hbm>>
      %dma_wait3A_23 = tpu.memref_squeeze %dma_wait3A_22 : memref<1x10240x128xf32, #tpu.memory_space<hbm>> -> memref<10240x128xf32, #tpu.memory_space<hbm>>
      %dma_wait3A_24 = arith.constant 0 : i32
      %dma_wait3A_25 = tpu.memref_slice %dma_wait3A_23[%mul3A_13, %dma_wait3A_24] : memref<10240x128xf32, #tpu.memory_space<hbm>> -> memref<640x128xf32, #tpu.memory_space<hbm>>
      %dma_wait3A_26 = arith.constant 0 : i32
      %dma_wait3A_27 = tpu.memref_slice %arg11[%mul3A_11, %dma_wait3A_26] : memref<10240x128xf32, #tpu.memory_space<vmem_shared>> -> memref<640x128xf32, #tpu.memory_space<vmem_shared>>
      tpu.wait_dma2 semaphore(%run_scoped3A : memref<!tpu.dma_semaphore, #tpu.memory_space<semaphore_mem>>) src(%dma_wait3A_27 : memref<640x128xf32, #tpu.memory_space<vmem_shared>>) dst(%dma_wait3A_25 : memref<640x128xf32, #tpu.memory_space<hbm>>)
      tpu.yield
    }) : () -> ()
    return
  }
}

module attributes {stable_mosaic.version = 14 : i64} {
  func.func @body(%arg0: i32, %arg1: memref<1024x128xf32, #tpu.memory_space<vmem>>, %arg2: memref<128x128xf32, #tpu.memory_space<vmem>>, %arg3: memref<2x1024x128xf32, #tpu.memory_space<vmem>>, %arg4: memref<1024x128xf32, #tpu.memory_space<vmem>>) attributes {dimension_semantics = [#tpu.dimension_semantics<arbitrary>], iteration_bounds = array<i64: 10>, scalar_prefetch = 0 : i64, scratch_operands = 0 : i64, tpu.core_type = #tpu.core_type<tc>, window_params = [{transform_indices = @transform_0, window_bounds = array<i64: 1024, 128>}, {pipeline_mode = #tpu.pipeline_mode<synchronous>, transform_indices = @transform_1, window_bounds = array<i64: 128, 128>}, {transform_indices = @transform_2, window_bounds = array<i64: 2, 1024, 128>}, {transform_indices = @transform_3, window_bounds = array<i64: 1024, 128>}]} {
    %get3A = arith.constant 0 : index
    %get3A_0 = arith.constant 0 : index
    %get3A_1 = arith.constant 0 : index
    %get3A_2 = vector.load %arg3[%get3A, %get3A_0, %get3A_1] : memref<2x1024x128xf32, #tpu.memory_space<vmem>>, vector<1x1024x1xf32>
    %get3A_3 = vector.shape_cast %get3A_2 : vector<1x1024x1xf32> to vector<1024x1xf32>
    %get3A_4 = arith.constant 1 : index
    %get3A_5 = arith.constant 0 : index
    %get3A_6 = arith.constant 0 : index
    %get3A_7 = vector.load %arg3[%get3A_4, %get3A_5, %get3A_6] : memref<2x1024x128xf32, #tpu.memory_space<vmem>>, vector<1x1024x1xf32>
    %get3A_8 = vector.shape_cast %get3A_7 : vector<1x1024x1xf32> to vector<1024x1xf32>
    %add3A = arith.addf %get3A_3, %get3A_8 : vector<1024x1xf32>
    %add3A_9 = arith.constant 1.000000e+00 : f32
    %add3A_10 = vector.broadcast %add3A_9 : f32 to vector<1024x1xf32>
    %add3A_11 = arith.addf %add3A, %add3A_10 : vector<1024x1xf32>
    %rsqrt3A = math.rsqrt %add3A_11 : vector<1024x1xf32>
    %get3A_12 = arith.constant 0 : index
    %get3A_13 = arith.constant 0 : index
    %get3A_14 = vector.load %arg1[%get3A_12, %get3A_13] : memref<1024x128xf32, #tpu.memory_space<vmem>>, vector<1024x128xf32>
    %get3A_15 = arith.constant 0 : index
    %get3A_16 = arith.constant 0 : index
    %get3A_17 = vector.load %arg2[%get3A_15, %get3A_16] : memref<128x128xf32, #tpu.memory_space<vmem>>, vector<128x128xf32>
    %dot_general3A = arith.constant dense<0.000000e+00> : vector<1024x128xf32>
    %dot_general3A_18 = tpu.matmul %get3A_14, %get3A_17, %dot_general3A {dimension_numbers = #tpu.dot_dimension_numbers<[1], [0], [0], [1], [0, 0, 1, 1], [], []>, precision = #tpu.contract_precision<fp32>, transpose_lhs_hint = false} : vector<1024x128xf32>, vector<128x128xf32>, vector<1024x128xf32> -> vector<1024x128xf32>
    %mul3A = vector.broadcast %rsqrt3A : vector<1024x1xf32> to vector<1024x128xf32>
    %mul3A_19 = arith.mulf %mul3A, %dot_general3A_18 : vector<1024x128xf32>
    %swap3A = arith.constant 0 : index
    %swap3A_20 = arith.constant 0 : index
    %swap3A_21 = vector.load %arg4[%swap3A, %swap3A_20] : memref<1024x128xf32, #tpu.memory_space<vmem>>, vector<1024x128xf32>
    tpu.vector_store %arg4[%swap3A, %swap3A_20], %mul3A_19 {strides = array<i32>} : memref<1024x128xf32, #tpu.memory_space<vmem>>, vector<1024x128xf32>,
    return
  }
  func.func @transform_0(%arg0: i32) -> (i32, i32) {
    %c0_i32 = arith.constant 0 : i32
    %c0_i32_0 = arith.constant 0 : i32
    return %arg0, %c0_i32 : i32, i32
  }
  func.func @transform_1(%arg0: i32) -> (i32, i32) {
    %c0_i32 = arith.constant 0 : i32
    %c0_i32_0 = arith.constant 0 : i32
    %c0_i32_1 = arith.constant 0 : i32
    return %c0_i32, %c0_i32_0 : i32, i32
  }
  func.func @transform_2(%arg0: i32) -> (i32, i32, i32) {
    %c0_i32 = arith.constant 0 : i32
    %c0_i32_0 = arith.constant 0 : i32
    %c0_i32_1 = arith.constant 0 : i32
    return %c0_i32, %arg0, %c0_i32_0 : i32, i32, i32
  }
  func.func @transform_3(%arg0: i32) -> (i32, i32) {
    %c0_i32 = arith.constant 0 : i32
    %c0_i32_0 = arith.constant 0 : i32
    return %arg0, %c0_i32 : i32, i32
  }
}

module attributes {stable_mosaic.version = 14 : i64} {
  func.func @body(%arg0: i32, %arg1: memref<2x1024x128xf32, #tpu.memory_space<vmem>>, %arg2: memref<1024x128xf32, #tpu.memory_space<vmem>>, %arg3: memref<2x1024x128xf32, #tpu.memory_space<vmem>>, %arg4: memref<1x128xf32, #tpu.memory_space<vmem>>, %arg5: memref<128x128xf32, #tpu.memory_space<vmem>>, %arg6: memref<1024x128xf32, #tpu.memory_space<vmem>>) attributes {dimension_semantics = [#tpu.dimension_semantics<arbitrary>], iteration_bounds = array<i64: 10>, scalar_prefetch = 0 : i64, scratch_operands = 0 : i64, tpu.core_type = #tpu.core_type<tc>, window_params = [{transform_indices = @transform_0, window_bounds = array<i64: 2, 1024, 128>}, {transform_indices = @transform_1, window_bounds = array<i64: 1024, 128>}, {transform_indices = @transform_2, window_bounds = array<i64: 2, 1024, 128>}, {pipeline_mode = #tpu.pipeline_mode<synchronous>, transform_indices = @transform_3, window_bounds = array<i64: 1, 128>}, {pipeline_mode = #tpu.pipeline_mode<synchronous>, transform_indices = @transform_4, window_bounds = array<i64: 128, 128>}, {transform_indices = @transform_5, window_bounds = array<i64: 1024, 128>}]} {
    %get3A = arith.constant 0 : index
    %get3A_0 = arith.constant 0 : index
    %get3A_1 = arith.constant 0 : index
    %get3A_2 = vector.load %arg3[%get3A, %get3A_0, %get3A_1] : memref<2x1024x128xf32, #tpu.memory_space<vmem>>, vector<1x1024x1xf32>
    %get3A_3 = vector.shape_cast %get3A_2 : vector<1x1024x1xf32> to vector<1024x1xf32>
    %get3A_4 = arith.constant 1 : index
    %get3A_5 = arith.constant 0 : index
    %get3A_6 = arith.constant 0 : index
    %get3A_7 = vector.load %arg3[%get3A_4, %get3A_5, %get3A_6] : memref<2x1024x128xf32, #tpu.memory_space<vmem>>, vector<1x1024x1xf32>
    %get3A_8 = vector.shape_cast %get3A_7 : vector<1x1024x1xf32> to vector<1024x1xf32>
    %add3A = arith.addf %get3A_3, %get3A_8 : vector<1024x1xf32>
    %add3A_9 = arith.constant 1.000000e+00 : f32
    %add3A_10 = vector.broadcast %add3A_9 : f32 to vector<1024x1xf32>
    %add3A_11 = arith.addf %add3A, %add3A_10 : vector<1024x1xf32>
    %rsqrt3A = math.rsqrt %add3A_11 : vector<1024x1xf32>
    %get3A_12 = arith.constant 0 : index
    %get3A_13 = arith.constant 0 : index
    %get3A_14 = arith.constant 0 : index
    %get3A_15 = vector.load %arg1[%get3A_12, %get3A_13, %get3A_14] : memref<2x1024x128xf32, #tpu.memory_space<vmem>>, vector<1x1024x128xf32>
    %get3A_16 = vector.shape_cast %get3A_15 : vector<1x1024x128xf32> to vector<1024x128xf32>
    %get3A_17 = arith.constant 1 : index
    %get3A_18 = arith.constant 0 : index
    %get3A_19 = arith.constant 0 : index
    %get3A_20 = vector.load %arg1[%get3A_17, %get3A_18, %get3A_19] : memref<2x1024x128xf32, #tpu.memory_space<vmem>>, vector<1x1024x128xf32>
    %get3A_21 = vector.shape_cast %get3A_20 : vector<1x1024x128xf32> to vector<1024x128xf32>
    %add3A_22 = arith.addf %get3A_16, %get3A_21 : vector<1024x128xf32>
    %get3A_23 = arith.constant 0 : index
    %get3A_24 = arith.constant 0 : index
    %get3A_25 = vector.load %arg2[%get3A_23, %get3A_24] : memref<1024x128xf32, #tpu.memory_space<vmem>>, vector<1024x128xf32>
    %add3A_26 = arith.addf %add3A_22, %get3A_25 : vector<1024x128xf32>
    %mul3A = vector.broadcast %rsqrt3A : vector<1024x1xf32> to vector<1024x128xf32>
    %mul3A_27 = arith.mulf %mul3A, %add3A_26 : vector<1024x128xf32>
    %get3A_28 = arith.constant 0 : index
    %get3A_29 = arith.constant 0 : index
    %get3A_30 = vector.load %arg4[%get3A_28, %get3A_29] : memref<1x128xf32, #tpu.memory_space<vmem>>, vector<1x128xf32>
    %add3A_31 = vector.broadcast %get3A_30 : vector<1x128xf32> to vector<1024x128xf32>
    %add3A_32 = arith.addf %mul3A_27, %add3A_31 : vector<1024x128xf32>
    %max3A = arith.constant 0.000000e+00 : f32
    %max3A_33 = vector.broadcast %max3A : f32 to vector<1024x128xf32>
    %max3A_34 = arith.maximumf %add3A_32, %max3A_33 : vector<1024x128xf32>
    %get3A_35 = arith.constant 0 : index
    %get3A_36 = arith.constant 0 : index
    %get3A_37 = vector.load %arg5[%get3A_35, %get3A_36] : memref<128x128xf32, #tpu.memory_space<vmem>>, vector<128x128xf32>
    %dot_general3A = arith.constant dense<0.000000e+00> : vector<1024x128xf32>
    %dot_general3A_38 = tpu.matmul %max3A_34, %get3A_37, %dot_general3A {dimension_numbers = #tpu.dot_dimension_numbers<[1], [0], [0], [1], [0, 0, 1, 1], [], []>, precision = #tpu.contract_precision<fp32>, transpose_lhs_hint = false} : vector<1024x128xf32>, vector<128x128xf32>, vector<1024x128xf32> -> vector<1024x128xf32>
    %mul3A_39 = vector.broadcast %rsqrt3A : vector<1024x1xf32> to vector<1024x128xf32>
    %mul3A_40 = arith.mulf %mul3A_39, %dot_general3A_38 : vector<1024x128xf32>
    %swap3A = arith.constant 0 : index
    %swap3A_41 = arith.constant 0 : index
    %swap3A_42 = vector.load %arg6[%swap3A, %swap3A_41] : memref<1024x128xf32, #tpu.memory_space<vmem>>, vector<1024x128xf32>
    tpu.vector_store %arg6[%swap3A, %swap3A_41], %mul3A_40 {strides = array<i32>} : memref<1024x128xf32, #tpu.memory_space<vmem>>, vector<1024x128xf32>,
    return
  }
  func.func @transform_0(%arg0: i32) -> (i32, i32, i32) {
    %c0_i32 = arith.constant 0 : i32
    %c0_i32_0 = arith.constant 0 : i32
    %c0_i32_1 = arith.constant 0 : i32
    return %c0_i32, %arg0, %c0_i32_0 : i32, i32, i32
  }
  func.func @transform_1(%arg0: i32) -> (i32, i32) {
    %c0_i32 = arith.constant 0 : i32
    %c0_i32_0 = arith.constant 0 : i32
    return %arg0, %c0_i32 : i32, i32
  }
  func.func @transform_2(%arg0: i32) -> (i32, i32, i32) {
    %c0_i32 = arith.constant 0 : i32
    %c0_i32_0 = arith.constant 0 : i32
    %c0_i32_1 = arith.constant 0 : i32
    return %c0_i32, %arg0, %c0_i32_0 : i32, i32, i32
  }
  func.func @transform_3(%arg0: i32) -> (i32, i32) {
    %c0_i32 = arith.constant 0 : i32
    %c0_i32_0 = arith.constant 0 : i32
    %c0_i32_1 = arith.constant 0 : i32
    return %c0_i32, %c0_i32_0 : i32, i32
  }
  func.func @transform_4(%arg0: i32) -> (i32, i32) {
    %c0_i32 = arith.constant 0 : i32
    %c0_i32_0 = arith.constant 0 : i32
    %c0_i32_1 = arith.constant 0 : i32
    return %c0_i32, %c0_i32_0 : i32, i32
  }
  func.func @transform_5(%arg0: i32) -> (i32, i32) {
    %c0_i32 = arith.constant 0 : i32
    %c0_i32_0 = arith.constant 0 : i32
    return %arg0, %c0_i32 : i32, i32
  }
}

module attributes {stable_mosaic.version = 14 : i64} {
  func.func @body(%arg0: i32, %arg1: memref<2x1024x128xf32, #tpu.memory_space<vmem>>, %arg2: memref<1024x128xf32, #tpu.memory_space<vmem>>, %arg3: memref<2x1024x128xf32, #tpu.memory_space<vmem>>, %arg4: memref<1x128xf32, #tpu.memory_space<vmem>>, %arg5: memref<1024x128xf32, #tpu.memory_space<vmem>>) attributes {dimension_semantics = [#tpu.dimension_semantics<arbitrary>], iteration_bounds = array<i64: 10>, scalar_prefetch = 0 : i64, scratch_operands = 0 : i64, tpu.core_type = #tpu.core_type<tc>, window_params = [{transform_indices = @transform_0, window_bounds = array<i64: 2, 1024, 128>}, {transform_indices = @transform_1, window_bounds = array<i64: 1024, 128>}, {transform_indices = @transform_2, window_bounds = array<i64: 2, 1024, 128>}, {pipeline_mode = #tpu.pipeline_mode<synchronous>, transform_indices = @transform_3, window_bounds = array<i64: 1, 128>}, {transform_indices = @transform_4, window_bounds = array<i64: 1024, 128>}]} {
    %get3A = arith.constant 0 : index
    %get3A_0 = arith.constant 0 : index
    %get3A_1 = arith.constant 0 : index
    %get3A_2 = vector.load %arg3[%get3A, %get3A_0, %get3A_1] : memref<2x1024x128xf32, #tpu.memory_space<vmem>>, vector<1x1024x1xf32>
    %get3A_3 = vector.shape_cast %get3A_2 : vector<1x1024x1xf32> to vector<1024x1xf32>
    %get3A_4 = arith.constant 1 : index
    %get3A_5 = arith.constant 0 : index
    %get3A_6 = arith.constant 0 : index
    %get3A_7 = vector.load %arg3[%get3A_4, %get3A_5, %get3A_6] : memref<2x1024x128xf32, #tpu.memory_space<vmem>>, vector<1x1024x1xf32>
    %get3A_8 = vector.shape_cast %get3A_7 : vector<1x1024x1xf32> to vector<1024x1xf32>
    %add3A = arith.addf %get3A_3, %get3A_8 : vector<1024x1xf32>
    %add3A_9 = arith.constant 1.000000e+00 : f32
    %add3A_10 = vector.broadcast %add3A_9 : f32 to vector<1024x1xf32>
    %add3A_11 = arith.addf %add3A, %add3A_10 : vector<1024x1xf32>
    %rsqrt3A = math.rsqrt %add3A_11 : vector<1024x1xf32>
    %get3A_12 = arith.constant 0 : index
    %get3A_13 = arith.constant 0 : index
    %get3A_14 = arith.constant 0 : index
    %get3A_15 = vector.load %arg1[%get3A_12, %get3A_13, %get3A_14] : memref<2x1024x128xf32, #tpu.memory_space<vmem>>, vector<1x1024x128xf32>
    %get3A_16 = vector.shape_cast %get3A_15 : vector<1x1024x128xf32> to vector<1024x128xf32>
    %get3A_17 = arith.constant 1 : index
    %get3A_18 = arith.constant 0 : index
    %get3A_19 = arith.constant 0 : index
    %get3A_20 = vector.load %arg1[%get3A_17, %get3A_18, %get3A_19] : memref<2x1024x128xf32, #tpu.memory_space<vmem>>, vector<1x1024x128xf32>
    %get3A_21 = vector.shape_cast %get3A_20 : vector<1x1024x128xf32> to vector<1024x128xf32>
    %add3A_22 = arith.addf %get3A_16, %get3A_21 : vector<1024x128xf32>
    %get3A_23 = arith.constant 0 : index
    %get3A_24 = arith.constant 0 : index
    %get3A_25 = vector.load %arg2[%get3A_23, %get3A_24] : memref<1024x128xf32, #tpu.memory_space<vmem>>, vector<1024x128xf32>
    %add3A_26 = arith.addf %add3A_22, %get3A_25 : vector<1024x128xf32>
    %mul3A = vector.broadcast %rsqrt3A : vector<1024x1xf32> to vector<1024x128xf32>
    %mul3A_27 = arith.mulf %mul3A, %add3A_26 : vector<1024x128xf32>
    %get3A_28 = arith.constant 0 : index
    %get3A_29 = arith.constant 0 : index
    %get3A_30 = vector.load %arg4[%get3A_28, %get3A_29] : memref<1x128xf32, #tpu.memory_space<vmem>>, vector<1x128xf32>
    %add3A_31 = vector.broadcast %get3A_30 : vector<1x128xf32> to vector<1024x128xf32>
    %add3A_32 = arith.addf %mul3A_27, %add3A_31 : vector<1024x128xf32>
    %swap3A = arith.constant 0 : index
    %swap3A_33 = arith.constant 0 : index
    %swap3A_34 = vector.load %arg5[%swap3A, %swap3A_33] : memref<1024x128xf32, #tpu.memory_space<vmem>>, vector<1024x128xf32>
    tpu.vector_store %arg5[%swap3A, %swap3A_33], %add3A_32 {strides = array<i32>} : memref<1024x128xf32, #tpu.memory_space<vmem>>, vector<1024x128xf32>,
    return
  }
  func.func @transform_0(%arg0: i32) -> (i32, i32, i32) {
    %c0_i32 = arith.constant 0 : i32
    %c0_i32_0 = arith.constant 0 : i32
    %c0_i32_1 = arith.constant 0 : i32
    return %c0_i32, %arg0, %c0_i32_0 : i32, i32, i32
  }
  func.func @transform_1(%arg0: i32) -> (i32, i32) {
    %c0_i32 = arith.constant 0 : i32
    %c0_i32_0 = arith.constant 0 : i32
    return %arg0, %c0_i32 : i32, i32
  }
  func.func @transform_2(%arg0: i32) -> (i32, i32, i32) {
    %c0_i32 = arith.constant 0 : i32
    %c0_i32_0 = arith.constant 0 : i32
    %c0_i32_1 = arith.constant 0 : i32
    return %c0_i32, %arg0, %c0_i32_0 : i32, i32, i32
  }
  func.func @transform_3(%arg0: i32) -> (i32, i32) {
    %c0_i32 = arith.constant 0 : i32
    %c0_i32_0 = arith.constant 0 : i32
    %c0_i32_1 = arith.constant 0 : i32
    return %c0_i32, %c0_i32_0 : i32, i32
  }
  func.func @transform_4(%arg0: i32) -> (i32, i32) {
    %c0_i32 = arith.constant 0 : i32
    %c0_i32_0 = arith.constant 0 : i32
    return %arg0, %c0_i32 : i32, i32
  }
}

</mosaic_0001>

<sc_bundles>
// kernel: kernel.11.cloned.1.call-start
scs
__scs_entry_jumppad:
0x0: {  	(pc) =	sbr.rel $0x88, $3  }
0x1: {  	(tag) =	ssettag $0x0;
	lr =	simm.s32 $0x1  }
0x2: {  	[smem:$0x3F9B] =	sst lr;
	_ =	strace $0xD0000000  }
0x3: {  	_ = 	snop  }
0x4: {  	_ = 	snop  }
0x5: {  	_ = 	snop  }
0x6: {  	_ = 	snop  }
0x7: {  	_ = 	snop  }
__scs_overlays_trampoline_lowered:
0x8: {  	[smem:$0x3FAA] =	sst s0  }
0x9: {  	[smem:$0x3FAB] =	sst s1  }
0xa: {  	[smem:$0x3FAC] =	sst s2  }
0xb: {  	[smem:$0x3FAD] =	sst s3  }
0xc: {  	[smem:$0x3FAE] =	sst s4  }
0xd: {  	[smem:$0x3FAF] =	sst s5  }
0xe: {  	[smem:$0x3FB0] =	sst s6  }
0xf: {  	[smem:$0x3FB1] =	sst s7  }
0x10: {  	[smem:$0x3FB2] =	sst s8  }
0x11: {  	[smem:$0x3FB3] =	sst s9;
	s0 =	simm.s32 @!p0 $0x0  }
0x12: {  	s1 =	sld [smem:$0x3F99];
	s0 =	simm.s32 @p0 $0x1  }
0x13: {  	[smem:$0x3FB4] =	sst s0;
	s0 =	simm.s32 @!p1 $0x0  }
0x14: {  	s2 =	sld [smem:$0x3F98];
	s0 =	simm.s32 @p1 $0x1  }
0x15: {  	[smem:$0x3FB5] =	sst s0;
	s0 =	simm.s32 @!p2 $0x0  }
0x16: {  	s3 =	sld [smem:$0x3FDB];
	s0 =	simm.s32 @p2 $0x1  }
0x17: {  	s4 =	simm.s32 $0x1BF5;
	[smem:$0x3FB7] =	sst s0  }
0x18: {  	s0 =	sld [smem:$0x3F9A];
	_ =	swait.ge [sflag:s4], $0x0  }
0x19: {  	s7 =	sld [smem:$0x3F9B]  }
0x1a: {  	s8 =	sadd.s32 $0xFFFFE003, lr  }
0x1b: {  	s9 =	sadd.s32 $0xFFFFFEF7, lr;
	s5 =	simm.s32 $0xFFFFFFFF;
	p2 =	slt.u32 s8, $0xFFFFF086  }
0x1c: {  	p1 =	slt.u32 s9, $0xF7A;
	s5 =	simm.s32 @!p2 $0x0  }
0x1d: {  	s5 =	simm.s32 @p1 $0x1;
	p0 =	seq.s32 s7, s2  }
0x1e: {  	s7 =	smul.u32 @!p0 $0xF7A, s2;
	p2 =	seq.s32 @!p0 s5, $0x0  }
0x1f: {  	s9 =	smul.u32 $0xF7A, s1;
	s8 =	simm.s32 @!p0 $0x1BF5;
	p2 =	por !p2, p0  }
0x20: {  	[sflag:s8] =	ssyncset.s32 @!p0 $0xFFFFF086;
	s6 =	sadd.s32 @!p0 s3, s7;
	s7 =	simm.s32 @!p0 $0x108  }
0x21: {  	s3 =	sadd.s32 s3, s9;
	s6 =	sadd.s32 @!p0 $0x88, s6;
	s7 =	simm.s32 @p2 $0x1082  }
0x22: {  	[simem:s7], [sflag:s8] =	dma.local @!p0 [hbm:s6], $0xF7A  }
0x23: {  	s9 =	sor.u32 $0xD0000000, s2;
	s6 =	simm.s32 $0x108;
	_ =	swait.ge @!p0 [sflag:s8], $0x0  }
0x24: {  	s3 =	sadd.s32 $0x88, s3;
	s6 =	simm.s32 @!p1 $0x1082;
	[sflag:s4] =	ssyncset.s32 $0xFFFFF086  }
0x25: {  	[simem:s6], [sflag:s4] =	dma.local [hbm:s3], $0xF7A  }
0x26: {  	[smem:$0x3F9B] =	sst s1;
	(tag) =	ssettag s2;
	_ =	strace s9  }
0x27: {  	s1 =	sld [smem:$0x3FAB]  }
0x28: {  	s2 =	sld [smem:$0x3FAC]  }
0x29: {  	s4 =	sld [smem:$0x3FAE]  }
0x2a: {  	p0 =	seq.s32 s5, $0x0;
	s5 =	sld [smem:$0x3FAF]  }
0x2b: {  	s6 =	sld [smem:$0x3FB0]  }
0x2c: {  	s7 =	sld [smem:$0x3FB1]  }
0x2d: {  	s3 =	simm.s32 $0x108;
	s8 =	sld [smem:$0x3FB2]  }
0x2e: {  	s3 =	simm.s32 @!p0 $0x1082;
	s9 =	sld [smem:$0x3FB3]  }
0x2f: {  	lr =	sadd.s32 s0, s3;
	s0 =	sld [smem:$0x3FAA]  }
0x30: {  	s3 =	sld [smem:$0x3FAD]  }
0x31: {  	[smem:$0x3FB6] =	sst s10  }
0x32: {  	s10 =	sld [smem:$0x3FB4];
	_ =	sdelay $0x3  }
0x33: {  	p0 =	seq.s32 s10, $0x1;
	s10 =	sld [smem:$0x3FB6];
	_ =	sdelay $0x3  }
0x34: {  	[smem:$0x3FB6] =	sst s10  }
0x35: {  	s10 =	sld [smem:$0x3FB5];
	_ =	sdelay $0x3  }
0x36: {  	p1 =	seq.s32 s10, $0x1;
	s10 =	sld [smem:$0x3FB6];
	_ =	sdelay $0x3  }
0x37: {  	[smem:$0x3FB6] =	sst s10  }
0x38: {  	s10 =	sld [smem:$0x3FB7]  }
0x39: {  	_ = 	snop;
	(pc) =	sbr.ind lr, $3  }
0x3a: {  	_ = 	snop  }
0x3b: {  	_ = 	snop  }
0x3c: {  	p2 =	seq.s32 s10, $0x1;
	s10 =	sld [smem:$0x3FB6]  }
0x3d: {  	_ =	shalt  }
0x3e: {  	_ =	shalt  }
0x3f: {  	_ =	shalt  }
0x40: {  	_ =	shalt  }
0x41: {  	_ =	shalt  }
0x42: {  	_ =	shalt  }
0x43: {  	_ =	shalt  }
0x44: {  	_ =	shalt  }
0x45: {  	_ =	shalt  }
0x46: {  	_ =	shalt  }
0x47: {  	_ =	shalt  }
0x48: {  	_ =	shalt  }
0x49: {  	_ =	shalt  }
0x4a: {  	_ =	shalt  }
0x4b: {  	_ =	shalt  }
0x4c: {  	_ =	shalt  }
0x4d: {  	_ =	shalt  }
0x4e: {  	_ =	shalt  }
0x4f: {  	_ =	shalt  }
0x50: {  	_ =	shalt  }
0x51: {  	_ =	shalt  }
0x52: {  	_ =	shalt  }
0x53: {  	_ =	shalt  }
0x54: {  	_ =	shalt  }
0x55: {  	_ =	shalt  }
0x56: {  	_ =	shalt  }
0x57: {  	_ =	shalt  }
0x58: {  	_ =	shalt  }
0x59: {  	_ =	shalt  }
0x5a: {  	_ =	shalt  }
0x5b: {  	_ =	shalt  }
0x5c: {  	_ =	shalt  }
0x5d: {  	_ =	shalt  }
0x5e: {  	_ =	shalt  }
0x5f: {  	_ =	shalt  }
0x60: {  	_ =	shalt  }
0x61: {  	_ =	shalt  }
0x62: {  	_ =	shalt  }
0x63: {  	_ =	shalt  }
0x64: {  	_ =	shalt  }
0x65: {  	_ =	shalt  }
0x66: {  	_ =	shalt  }
0x67: {  	_ =	shalt  }
0x68: {  	_ =	shalt  }
0x69: {  	_ =	shalt  }
0x6a: {  	_ =	shalt  }
0x6b: {  	_ =	shalt  }
0x6c: {  	_ =	shalt  }
0x6d: {  	_ =	shalt  }
0x6e: {  	_ =	shalt  }
0x6f: {  	_ =	shalt  }
0x70: {  	_ =	shalt  }
0x71: {  	_ =	shalt  }
0x72: {  	_ =	shalt  }
0x73: {  	_ =	shalt  }
0x74: {  	_ =	shalt  }
0x75: {  	_ =	shalt  }
0x76: {  	_ =	shalt  }
0x77: {  	_ =	shalt  }
0x78: {  	_ =	shalt  }
0x79: {  	_ =	shalt  }
0x7a: {  	_ =	shalt  }
0x7b: {  	_ =	shalt  }
0x7c: {  	_ =	shalt  }
0x7d: {  	_ =	shalt  }
0x7e: {  	_ =	shalt  }
0x7f: {  	_ =	shalt  }
0x80: {  	_ =	shalt  }
0x81: {  	_ =	shalt  }
0x82: {  	_ =	shalt  }
0x83: {  	_ =	shalt  }
0x84: {  	_ =	shalt  }
0x85: {  	_ =	shalt  }
0x86: {  	_ =	shalt  }
0x87: {  	_ =	shalt  }
.Lfunc_end0:
.L_simem_size_0:
called_computation.1_lowered:
.L_overlay_start_0:
0x88: {  	s2 =	sld [smem:$0x3FD9]  }
0x89: {  	s3 =	sld [smem:$0x3FFE];
	_ =	sdelay $0x1  }
0x8a: {  	s1 =	srdreg.scid  }
0x8b: {  	s0 =	sand.u32 $0x1, s1  }
0x8c: {  	s17 =	sshll.u32 s0, $0xA;
	s2 =	sadd.s32 s3, s2  }
0x8d: {  	s2 =	sadd.s32 s2, s17  }
0x8e: {  	[smem:$0x3FC2] =	sst s2  }
0x8f: {  	_ = 	snop  }
0x90: {  	s2 =	sld [smem:$0x3FD0];
	(tm) =	ssettm $0x1  }
0x91: {  	s18 =	sld [smem:$0x3FFB];
	_ =	sdelay $0x3  }
0x92: {  	_ =	strace s18  }
0x93: {  	s3 =	sld [smem:$0x3FFC];
	_ =	sdelay $0x3  }
0x94: {  	_ =	strace s3  }
0x95: {  	s3 =	sld [smem:$0x3FFD];
	_ =	sdelay $0x3  }
0x96: {  	_ =	strace s3  }
0x97: {  	_ =	strace $0x8FFFFFFF  }
0x98: {  	s19 =	sld [smem:$0x3FDB];
	_ =	sdelay $0x1  }
0x99: {  	s4 =	simm.s32 $_scs_section_size  }
0x9a: {  	s5 =	simm.s32 $_size__tile_overlayer_lowered;
	s6 =	simm.s32 $_tile_overlayer_lowered  }
0x9b: {  	s22 =	simm.s32 $0x1BFF;
	s21 =	sshll.u32 s6, $0x1;
	s3 =	sadd.s32 s4, s19  }
0x9c: {  	s7 =	simm.s32 $0x0;
	s20 =	sshll.u32 s5, $0x1;
	s5 =	sadd.s32 s21, s3  }
0x9d: {  	[timem:s7], [sflag:s22] =	dma.local [hbm:s5], s20  }
0x9e: {  	_ =	swait.ge [sflag:s22], s20  }
0x9f: {  	s4 =	ssub.s32 $0x0, s20;
	[sflag:s22] =	ssyncset.done $0x0  }
0xa0: {  	[sflag:s22] =	ssyncadd.s32 s4;
	_ =	sdelay $0x1  }
0xa1: {  	s23 =	simm.s32 $0x1B8B  }
0xa2: {  	_ =	swait.ge [sflag:s23], $0x1  }
0xa3: {  	[sflag:s23] =	ssyncset.done $0x0  }
0xa4: {  	s25 =	simm.s32 $0x1B8E;
	s24 =	sld [smem:$0x3FFE];
	[sflag:s23] =	ssyncadd.s32 $0xFFFFFFFF  }
0xa5: {  	s26 =	simm.s32 $execute0_lowered;
	[smem:$0x3FD2] =	sst s25  }
0xa6: {  	s5 =	sshll.u32 s26, $0x1;
	_ =	strace $0x80000049;
	[dreg:$0x1] =	wrdreg $0xFFFFFFFF  }
0xa7: {  	s28 =	simm.s32 $_size_execute0_lowered;
	s3 =	sadd.s32 s3, s5;
	[dreg:$0x0] =	wrdreg $0x0  }
0xa8: {  	s5 =	sshll.u32 s28, $0x1;
	[dreg:$0x2] =	wrdreg s3  }
0xa9: {  	[dreg:$0x3] =	wrdreg s5  }
0xaa: {  	[dreg:$0x4] =	wrdreg $0xC0  }
0xab: {  	_ =	task [dreg:s7], $0x5FFFF  }
0xac: {  	[dreg:$0x1] =	wrdreg $0xFFFFFFFF  }
0xad: {  	[dreg:$0x0] =	wrdreg $0x60  }
0xae: {  	[dreg:$0x2] =	wrdreg s24  }
0xaf: {  	[dreg:$0x3] =	wrdreg s2  }
0xb0: {  	[dreg:$0x4] =	wrdreg $0xA8000  }
0xb1: {  	[dreg:$0x5] =	wrdreg $0x9  }
0xb2: {  	_ =	task.clear_ibuf [dreg:s7], $0x6FFFF;
	_ =	strace $0x90000049  }
0xb3: {  	s29 =	simm.s32 $0x9;
	_ =	strace $0x8000004B  }
0xb4: {  	_ =	swait.ge [sflag:s29], $0x1  }
0xb5: {  	[sflag:s29] =	ssyncadd.s32 $0xFFFFFFFF  }
0xb6: {  	_ =	strace $0x9000004B  }
0xb7: {  	_ =	sfence  }
0xb8: {  	s30 =	sld [smem:$0x0];
	_ =	sdelay $0x2  }
0xb9: {  	s31 =	sshll.u32 s1, $0xD;
	s1 =	sshrl.u32 s1, $0x2  }
0xba: {  	s3 =	sand.u32 $0x4000, s31;
	s1 =	sadd.s32 s1, s30  }
0xbb: {  	s0 =	sor.u32 s3, s0;
	s1 =	sshll.u32 s1, $0x11  }
0xbc: {  	s0 =	sor.u32 s1, s0  }
0xbd: {  	s0 =	sadd.s32 $0x8F2B, s0  }
0xbe: {  	[sflag:s0] =	ssyncadd.remote.s32 $0x1  }
0xbf: {  	_ =	sfence.sel $0xFFFF  }
0xc0: {  	[dreg:$0x0] =	wrdreg $0xFFFFFFFF;
	(pc) =	sbr.abs _section_cstart, $3  }
0xc1: {  	[dreg:$0x1] =	wrdreg $0xFFFFFFFF  }
0xc2: {  	_ =	task.clear_ibuf [dreg:s7], $0x2FFFF;
	_ =	strace $0x9FFFFFFF  }
0xc3: {  	(tm) =	ssettm $0x7FFFFFFF  }
tec
execute0_lowered:
.L_overlay_start_1:
0x0: {  	(tag) =	ssettag $0x1  }
0x1: {  	s5 =	rddreg [dreg:$0x0]  }
0x2: {  	s10 =	rddreg [dreg:$0x1]  }
0x3: {  	s2 =	rddreg [dreg:$0x2]  }
0x4: {  	s0 =	rddreg [dreg:$0x3];
	s3 =	simm.s32 $0x0;
	s1 =	stileid.u32  }
0x5: {  	s4 =	srdreg.scid;
	s15 =	simm.s32 $0x80;
	s16 =	simm.s32 $0x2800  }
0x6: {  	s17 =	simm.s32 $0x6800;
	s18 =	simm.s32 $0x1;
	s19 =	simm.s32 $0x2  }
0x7: {  	s20 =	simm.s32 $0x1380;
	s21 =	simm.s32 $0x2700;
	s22 =	simm.s32 $0x2780  }
0x8: {  	[smem:$0x7FF] =	sst s3;
	s23 =	smul.u32 $0x2800, s1;
	s6 =	sand.u32 $0x1, s4  }
0x9: {  	s4 =	sadd.s32 $0x85200, s5;
	s11 =	sadd.s32 $0x2A00, s5;
	s8 =	smul.u32 $0x50000, s1  }
0xa: {  	s13 =	sshll.u32 s1, $0x1;
	s30 =	sshll.u32 s1, $0x6;
	_ =	strace $0x8000004A  }
0xb: {  	s7 =	smul.u32 $0x28000, s6;
	s28 =	ssub.s32 $0x2, s6;
	s6 =	sor.u32 s6, s13  }
0xc: {  	s13 =	simm.s32 $0x3;
	s9 =	sadd.s32 s23, s5;
	s12 =	sshrl.u32 s28, $0x1  }
0xd: {  	s8 =	sshrl.u32 s8, $0x2;
	s14 =	smul.u32 $0x500, s6;
	s6 =	sor.u32 $0x1C03, s30  }
0xe: {  	s7 =	sadd.s32 s7, s5;
	s12 =	ssub.s32 s28, s12;
	s29 =	sadd.s32 s8, s2  }
0xf: {  	s5 =	sadd.s32 $0xD200, s9;
	s24 =	sadd.s32 $0xAD200, s7;
	s7 =	smax.u32 s12, $0x1  }
0x10: {  	s8 =	sadd.s32 s10, s14;
	s9 =	sadd.s32 s11, s14;
	s31 =	sadd.s32 $0x280, s14  }
0x11: {  	s12 =	sshrl.u32 s29, $0x3;
	s14 =	simm.s32 $0x1400;
	s10 =	sadd.s32 s10, s31  }
0x12: {  	s11 =	sadd.s32 s11, s31;
	s23 =	sadd.s32 s23, s24;
	s24 =	simm.s32 $0x0  }
.LBB2_1:
0x13: {  	[spmem:s12], [sflag:s6] =	dma.local [hbm:s5], $0x2800  }
0x14: {  	_ =	swait.ge [sflag:s13], $0x2800  }
0x15: {  	[sflag:s13] =	ssyncset.done $0x0  }
0x16: {  	[sflag:s13] =	ssyncadd.s32 $0xFFFFD800  }
0x17: {  	[bflag:$0x0] =	sbarrier.arrive $0xFFFF  }
0x18: {  	[tilespmem:s3], [sflag:$0x3] =	stream.linear.gather [hbm4b:s8+s3], $0x1400, $0x38;
	[tilespmem:$0x1E800] =	vst v63  }
0x19: {  	_ =	swait.ge [sflag:s13], $0x1400  }
0x1a: {  	[sflag:s13] =	ssyncset.done $0x0  }
0x1b: {  	[sflag:s13] =	ssyncadd.s32 $0xFFFFEC00  }
0x1c: {  	[tilespmem:s14], [sflag:$0x3] =	stream.linear.gather [hbm4b:s9+s3], $0x1400, $0x38;
	[tilespmem:$0x1E800] =	vst v63  }
0x1d: {  	_ =	swait.ge [sflag:s13], $0x1400  }
0x1e: {  	[sflag:s13] =	ssyncset.done $0x0  }
0x1f: {  	[sflag:s13] =	ssyncadd.s32 $0xFFFFEC00  }
0x20: {  	[tilespmem:s16], [sflag:$0x1] =	stream.indirect.gather [hbm4b:s4+s15], $0x80, s3, s15, $0xb8;
	[tilespmem:$0x1E800] =	vst v63  }
0x21: {  	s25 =	simm.s32 $0x80  }
0x22: {  	[tilespmem:s17], [sflag:$0x2] =	stream.indirect.gather [hbm4b:s4+s15], $0x80, s25, s15, $0xb8;
	[tilespmem:$0x1E800] =	vst v63  }
0x23: {  	_ =	swait.ge [sflag:s18], $0x4000  }
0x24: {  	[sflag:s18] =	ssyncset.done $0x0  }
0x25: {  	s29 =	simm.s32 $0x1400;
	[sflag:s18] =	ssyncadd.s32 $0xFFFFC000  }
0x26: {  	[spmem:s2] =	stream.indirect.scatter.add.f32 [tilespmem:s16], [sflag:$0x3], $0x80, s29, s15, $0xb8;
	[tilespmem:$0x1E800] =	vst v63  }
0x27: {  	_ =	swait.ge [sflag:s13], $0x4000  }
0x28: {  	[sflag:s13] =	ssyncset.done $0x0  }
0x29: {  	s30 =	simm.s32 $0x100;
	[sflag:s13] =	ssyncadd.s32 $0xFFFFC000  }
0x2a: {  	[tilespmem:s16], [sflag:$0x1] =	stream.indirect.gather [hbm4b:s4+s15], $0x80, s30, s15, $0xb8;
	[tilespmem:$0x1E800] =	vst v63  }
0x2b: {  	_ =	swait.ge [sflag:s19], $0x4000  }
0x2c: {  	[sflag:s19] =	ssyncset.done $0x0  }
0x2d: {  	s31 =	simm.s32 $0x1480;
	[sflag:s19] =	ssyncadd.s32 $0xFFFFC000  }
0x2e: {  	[spmem:s2] =	stream.indirect.scatter.add.f32 [tilespmem:s17], [sflag:$0x3], $0x80, s31, s15, $0xb8;
	[tilespmem:$0x1E800] =	vst v63  }
0x2f: {  	_ =	swait.ge [sflag:s13], $0x4000  }
0x30: {  	s26 =	simm.s32 $0x800;
	s25 =	simm.s32 $0x100;
	[sflag:s13] =	ssyncset.done $0x0  }
.LBB2_2:
0x31: {  	s28 =	sadd.s32 $0x80, s25  }
0x32: {  	[sflag:s13] =	ssyncadd.s32 $0xFFFFC000;
	s29 =	smov.u32 s26;
	s30 =	sadd.s32 $0x400, s26  }
0x33: {  	[tilespmem:s17], [sflag:$0x2] =	stream.indirect.gather [hbm4b:s4+s15], $0x80, s28, s15, $0xb8;
	[tilespmem:$0x1E800] =	vst v63  }
0x34: {  	p0 =	sne.s32 s26, $0x4800;
	_ =	swait.ge [sflag:s18], $0x4000  }
0x35: {  	[sflag:s18] =	ssyncset.done $0x0  }
0x36: {  	s26 =	sadd.s32 $0x1400, s25;
	[sflag:s18] =	ssyncadd.s32 $0xFFFFC000  }
0x37: {  	[spmem:s2] =	stream.indirect.scatter.add.f32 [tilespmem:s16], [sflag:$0x3], $0x80, s26, s15, $0xb8;
	[tilespmem:$0x1E800] =	vst v63  }
0x38: {  	_ =	swait.ge [sflag:s13], $0x4000  }
0x39: {  	[sflag:s13] =	ssyncset.done $0x0  }
0x3a: {  	s26 =	sadd.s32 $0x100, s25;
	[sflag:s13] =	ssyncadd.s32 $0xFFFFC000  }
0x3b: {  	[tilespmem:s16], [sflag:$0x1] =	stream.indirect.gather [hbm4b:s4+s15], $0x80, s26, s15, $0xb8;
	[tilespmem:$0x1E800] =	vst v63  }
0x3c: {  	_ =	swait.ge [sflag:s19], $0x4000  }
.Ltmp0:
0x3d: {  	[sflag:s19] =	ssyncset.done $0x0;
	(pc) =	sbr.rel @p0 .LBB2_2-.Ltmp0, $4  }
0x3e: {  	s25 =	sadd.s32 $0x1480, s25;
	[sflag:s19] =	ssyncadd.s32 $0xFFFFC000  }
0x3f: {  	[spmem:s2] =	stream.indirect.scatter.add.f32 [tilespmem:s17], [sflag:$0x3], $0x80, s25, s15, $0xb8;
	[tilespmem:$0x1E800] =	vst v63  }
0x40: {  	_ =	swait.ge [sflag:s13], $0x4000  }
0x41: {  	s26 =	smov.u32 s30;
	s25 =	sshra.s32 s29, $0x2;
	[sflag:s13] =	ssyncset.done $0x0  }
0x42: {  	s26 =	sadd.s32 $0x80, s25;
	[sflag:s13] =	ssyncadd.s32 $0xFFFFC000  }
0x43: {  	[tilespmem:s17], [sflag:$0x2] =	stream.indirect.gather [hbm4b:s4+s15], $0x80, s26, s15, $0xb8;
	[tilespmem:$0x1E800] =	vst v63  }
0x44: {  	_ =	swait.ge [sflag:s18], $0x4000  }
0x45: {  	[sflag:s18] =	ssyncset.done $0x0  }
0x46: {  	s29 =	sadd.s32 $0x1400, s25;
	[sflag:s18] =	ssyncadd.s32 $0xFFFFC000  }
0x47: {  	[spmem:s2] =	stream.indirect.scatter.add.f32 [tilespmem:s16], [sflag:$0x3], $0x80, s29, s15, $0xb8;
	[tilespmem:$0x1E800] =	vst v63  }
0x48: {  	_ =	swait.ge [sflag:s13], $0x4000  }
0x49: {  	[sflag:s13] =	ssyncset.done $0x0  }
0x4a: {  	s30 =	sadd.s32 $0x100, s25;
	[sflag:s13] =	ssyncadd.s32 $0xFFFFC000  }
0x4b: {  	[tilespmem:s16], [sflag:$0x1] =	stream.indirect.gather [hbm4b:s4+s15], $0x80, s30, s15, $0xb8;
	[tilespmem:$0x1E800] =	vst v63  }
0x4c: {  	_ =	swait.ge [sflag:s19], $0x4000  }
0x4d: {  	[sflag:s19] =	ssyncset.done $0x0  }
0x4e: {  	s31 =	sadd.s32 $0x1480, s25;
	[sflag:s19] =	ssyncadd.s32 $0xFFFFC000  }
0x4f: {  	[spmem:s2] =	stream.indirect.scatter.add.f32 [tilespmem:s17], [sflag:$0x3], $0x80, s31, s15, $0xb8;
	[tilespmem:$0x1E800] =	vst v63  }
0x50: {  	_ =	swait.ge [sflag:s13], $0x4000  }
0x51: {  	[sflag:s13] =	ssyncset.done $0x0  }
0x52: {  	[sflag:s13] =	ssyncadd.s32 $0xFFFFC000  }
0x53: {  	[tilespmem:s17], [sflag:$0x2] =	stream.indirect.gather [hbm4b:s4+s15], $0x80, s20, s15, $0xb8;
	[tilespmem:$0x1E800] =	vst v63  }
0x54: {  	_ =	swait.ge [sflag:s18], $0x4000  }
0x55: {  	[sflag:s18] =	ssyncset.done $0x0  }
0x56: {  	[sflag:s18] =	ssyncadd.s32 $0xFFFFC000  }
0x57: {  	[spmem:s2] =	stream.indirect.scatter.add.f32 [tilespmem:s16], [sflag:$0x3], $0x80, s21, s15, $0xb8;
	[tilespmem:$0x1E800] =	vst v63  }
0x58: {  	_ =	swait.ge [sflag:s13], $0x4000  }
0x59: {  	[sflag:s13] =	ssyncset.done $0x0  }
0x5a: {  	[sflag:s13] =	ssyncadd.s32 $0xFFFFC000  }
0x5b: {  	[tilespmem:s16], [sflag:$0x1] =	stream.indirect.gather [hbm4b:s4+s15], $0x80, s20, s15, $0xb8;
	[tilespmem:$0x1E800] =	vst v63  }
0x5c: {  	_ =	swait.ge [sflag:s19], $0x4000  }
0x5d: {  	[sflag:s19] =	ssyncset.done $0x0  }
0x5e: {  	[sflag:s19] =	ssyncadd.s32 $0xFFFFC000  }
0x5f: {  	[spmem:s2] =	stream.indirect.scatter.add.f32 [tilespmem:s17], [sflag:$0x3], $0x80, s22, s15, $0xb8;
	[tilespmem:$0x1E800] =	vst v63  }
0x60: {  	_ =	swait.ge [sflag:s13], $0x4000  }
0x61: {  	[sflag:s13] =	ssyncset.done $0x0  }
0x62: {  	[sflag:s13] =	ssyncadd.s32 $0xFFFFC000  }
0x63: {  	_ =	swait.ge [sflag:s18], $0x4000  }
0x64: {  	[sflag:s18] =	ssyncset.done $0x0  }
0x65: {  	s26 =	simm.s32 $0x0;
	[sflag:s18] =	ssyncadd.s32 $0xFFFFC000  }
0x66: {  	[tilespmem:s26], [sflag:$0x3] =	stream.linear.gather [hbm4b:s10+s26], $0x1400, $0x38;
	[tilespmem:$0x1E800] =	vst v63  }
0x67: {  	_ =	swait.ge [sflag:s13], $0x1400  }
0x68: {  	[sflag:s13] =	ssyncset.done $0x0  }
0x69: {  	[sflag:s13] =	ssyncadd.s32 $0xFFFFEC00  }
0x6a: {  	[tilespmem:s14], [sflag:$0x3] =	stream.linear.gather [hbm4b:s11+s26], $0x1400, $0x38;
	[tilespmem:$0x1E800] =	vst v63  }
0x6b: {  	_ =	swait.ge [sflag:s13], $0x1400  }
0x6c: {  	[sflag:s13] =	ssyncset.done $0x0  }
0x6d: {  	[sflag:s13] =	ssyncadd.s32 $0xFFFFEC00  }
0x6e: {  	[tilespmem:s16], [sflag:$0x1] =	stream.indirect.gather [hbm4b:s4+s15], $0x80, s26, s15, $0xb8;
	[tilespmem:$0x1E800] =	vst v63  }
0x6f: {  	s28 =	simm.s32 $0x80  }
0x70: {  	[tilespmem:s17], [sflag:$0x2] =	stream.indirect.gather [hbm4b:s4+s15], $0x80, s28, s15, $0xb8;
	[tilespmem:$0x1E800] =	vst v63  }
0x71: {  	_ =	swait.ge [sflag:s18], $0x4000  }
0x72: {  	[sflag:s18] =	ssyncset.done $0x0  }
0x73: {  	s29 =	simm.s32 $0x1400;
	[sflag:s18] =	ssyncadd.s32 $0xFFFFC000  }
0x74: {  	[spmem:s2] =	stream.indirect.scatter.add.f32 [tilespmem:s16], [sflag:$0x3], $0x80, s29, s15, $0xb8;
	[tilespmem:$0x1E800] =	vst v63  }
0x75: {  	_ =	swait.ge [sflag:s13], $0x4000  }
0x76: {  	[sflag:s13] =	ssyncset.done $0x0  }
0x77: {  	s30 =	simm.s32 $0x100;
	[sflag:s13] =	ssyncadd.s32 $0xFFFFC000  }
0x78: {  	[tilespmem:s16], [sflag:$0x1] =	stream.indirect.gather [hbm4b:s4+s15], $0x80, s30, s15, $0xb8;
	[tilespmem:$0x1E800] =	vst v63  }
0x79: {  	_ =	swait.ge [sflag:s19], $0x4000  }
0x7a: {  	[sflag:s19] =	ssyncset.done $0x0  }
0x7b: {  	s31 =	simm.s32 $0x1480;
	[sflag:s19] =	ssyncadd.s32 $0xFFFFC000  }
0x7c: {  	[spmem:s2] =	stream.indirect.scatter.add.f32 [tilespmem:s17], [sflag:$0x3], $0x80, s31, s15, $0xb8;
	[tilespmem:$0x1E800] =	vst v63  }
0x7d: {  	_ =	swait.ge [sflag:s13], $0x4000  }
0x7e: {  	s25 =	simm.s32 $0x100;
	s26 =	simm.s32 $0x800;
	[sflag:s13] =	ssyncset.done $0x0  }
.LBB2_4:
0x7f: {  	s28 =	sadd.s32 $0x80, s25  }
0x80: {  	[sflag:s13] =	ssyncadd.s32 $0xFFFFC000;
	s29 =	smov.u32 s26;
	s30 =	sadd.s32 $0x400, s26  }
0x81: {  	[tilespmem:s17], [sflag:$0x2] =	stream.indirect.gather [hbm4b:s4+s15], $0x80, s28, s15, $0xb8;
	[tilespmem:$0x1E800] =	vst v63  }
0x82: {  	p0 =	sne.s32 s26, $0x4800;
	_ =	swait.ge [sflag:s18], $0x4000  }
0x83: {  	[sflag:s18] =	ssyncset.done $0x0  }
0x84: {  	s26 =	sadd.s32 $0x1400, s25;
	[sflag:s18] =	ssyncadd.s32 $0xFFFFC000  }
0x85: {  	[spmem:s2] =	stream.indirect.scatter.add.f32 [tilespmem:s16], [sflag:$0x3], $0x80, s26, s15, $0xb8;
	[tilespmem:$0x1E800] =	vst v63  }
0x86: {  	_ =	swait.ge [sflag:s13], $0x4000  }
0x87: {  	[sflag:s13] =	ssyncset.done $0x0  }
0x88: {  	s26 =	sadd.s32 $0x100, s25;
	[sflag:s13] =	ssyncadd.s32 $0xFFFFC000  }
0x89: {  	[tilespmem:s16], [sflag:$0x1] =	stream.indirect.gather [hbm4b:s4+s15], $0x80, s26, s15, $0xb8;
	[tilespmem:$0x1E800] =	vst v63  }
0x8a: {  	_ =	swait.ge [sflag:s19], $0x4000  }
.Ltmp1:
0x8b: {  	[sflag:s19] =	ssyncset.done $0x0;
	(pc) =	sbr.rel @p0 .LBB2_4-.Ltmp1, $4  }
0x8c: {  	s25 =	sadd.s32 $0x1480, s25;
	[sflag:s19] =	ssyncadd.s32 $0xFFFFC000  }
0x8d: {  	[spmem:s2] =	stream.indirect.scatter.add.f32 [tilespmem:s17], [sflag:$0x3], $0x80, s25, s15, $0xb8;
	[tilespmem:$0x1E800] =	vst v63  }
0x8e: {  	_ =	swait.ge [sflag:s13], $0x4000  }
0x8f: {  	s26 =	smov.u32 s30;
	s25 =	sshra.s32 s29, $0x2;
	[sflag:s13] =	ssyncset.done $0x0  }
0x90: {  	s26 =	sadd.s32 $0x80, s25;
	[sflag:s13] =	ssyncadd.s32 $0xFFFFC000  }
0x91: {  	[tilespmem:s17], [sflag:$0x2] =	stream.indirect.gather [hbm4b:s4+s15], $0x80, s26, s15, $0xb8;
	[tilespmem:$0x1E800] =	vst v63  }
0x92: {  	_ =	swait.ge [sflag:s18], $0x4000  }
0x93: {  	[sflag:s18] =	ssyncset.done $0x0  }
0x94: {  	s29 =	sadd.s32 $0x1400, s25;
	[sflag:s18] =	ssyncadd.s32 $0xFFFFC000  }
0x95: {  	[spmem:s2] =	stream.indirect.scatter.add.f32 [tilespmem:s16], [sflag:$0x3], $0x80, s29, s15, $0xb8;
	[tilespmem:$0x1E800] =	vst v63  }
0x96: {  	_ =	swait.ge [sflag:s13], $0x4000  }
0x97: {  	[sflag:s13] =	ssyncset.done $0x0  }
0x98: {  	s30 =	sadd.s32 $0x100, s25;
	[sflag:s13] =	ssyncadd.s32 $0xFFFFC000  }
0x99: {  	[tilespmem:s16], [sflag:$0x1] =	stream.indirect.gather [hbm4b:s4+s15], $0x80, s30, s15, $0xb8;
	[tilespmem:$0x1E800] =	vst v63  }
0x9a: {  	_ =	swait.ge [sflag:s19], $0x4000  }
0x9b: {  	[sflag:s19] =	ssyncset.done $0x0  }
0x9c: {  	s31 =	sadd.s32 $0x1480, s25;
	[sflag:s19] =	ssyncadd.s32 $0xFFFFC000  }
0x9d: {  	[spmem:s2] =	stream.indirect.scatter.add.f32 [tilespmem:s17], [sflag:$0x3], $0x80, s31, s15, $0xb8;
	[tilespmem:$0x1E800] =	vst v63  }
0x9e: {  	_ =	swait.ge [sflag:s13], $0x4000  }
0x9f: {  	[sflag:s13] =	ssyncset.done $0x0  }
0xa0: {  	[sflag:s13] =	ssyncadd.s32 $0xFFFFC000  }
0xa1: {  	[tilespmem:s17], [sflag:$0x2] =	stream.indirect.gather [hbm4b:s4+s15], $0x80, s20, s15, $0xb8;
	[tilespmem:$0x1E800] =	vst v63  }
0xa2: {  	_ =	swait.ge [sflag:s18], $0x4000  }
0xa3: {  	[sflag:s18] =	ssyncset.done $0x0  }
0xa4: {  	[sflag:s18] =	ssyncadd.s32 $0xFFFFC000  }
0xa5: {  	[spmem:s2] =	stream.indirect.scatter.add.f32 [tilespmem:s16], [sflag:$0x3], $0x80, s21, s15, $0xb8;
	[tilespmem:$0x1E800] =	vst v63  }
0xa6: {  	_ =	swait.ge [sflag:s13], $0x4000  }
0xa7: {  	[sflag:s13] =	ssyncset.done $0x0  }
0xa8: {  	[sflag:s13] =	ssyncadd.s32 $0xFFFFC000  }
0xa9: {  	[tilespmem:s16], [sflag:$0x1] =	stream.indirect.gather [hbm4b:s4+s15], $0x80, s20, s15, $0xb8;
	[tilespmem:$0x1E800] =	vst v63  }
0xaa: {  	_ =	swait.ge [sflag:s19], $0x4000  }
0xab: {  	[sflag:s19] =	ssyncset.done $0x0  }
0xac: {  	[sflag:s19] =	ssyncadd.s32 $0xFFFFC000  }
0xad: {  	[spmem:s2] =	stream.indirect.scatter.add.f32 [tilespmem:s17], [sflag:$0x3], $0x80, s22, s15, $0xb8;
	[tilespmem:$0x1E800] =	vst v63  }
0xae: {  	_ =	swait.ge [sflag:s13], $0x4000  }
0xaf: {  	[sflag:s13] =	ssyncset.done $0x0  }
0xb0: {  	[sflag:s13] =	ssyncadd.s32 $0xFFFFC000  }
0xb1: {  	_ =	swait.ge [sflag:s18], $0x4000  }
0xb2: {  	s24 =	sadd.s32 $0x1, s24;
	[sflag:s18] =	ssyncset.done $0x0  }
0xb3: {  	p0 =	sne.s32 s24, s7;
	[sflag:s18] =	ssyncadd.s32 $0xFFFFC000  }
.Ltmp2:
0xb4: {  	[bflag:$0x0] =	sbarrier.arrive $0xFFFF;
	(pc) =	sbr.rel @p0 .LBB2_1-.Ltmp2, $4  }
0xb5: {  	[hbm:s23], [sflag:s6] =	dma.local [spmem:s12], $0x2800  }
0xb6: {  	_ =	swait.ge [sflag:s13], $0x2800  }
0xb7: {  	[sflag:s13] =	ssyncset.done $0x0  }
0xb8: {  	[sflag:s13] =	ssyncadd.s32 $0xFFFFD800  }
0xb9: {  	_ =	sfence.sel $0x180000  }
0xba: {  	[bflag:$0x0] =	sbarrier.arrive $0xFFFF  }
0xbb: {  	p0 =	sne.s32 s1, $0x0;
	_ =	strace $0x9000004A  }
0xbc: {  	s0 =	sadd.s32 @!p0 $0x100000, s0;
	[bflag:$0x2] =	sbarrier.arrive $0xFFFF  }
0xbd: {  	[sflag:s0] =	ssyncadd.tile.s32 @!p0 $0x1;
	_ =	shalt  }
.Lfunc_end2:
_tile_overlayer_lowered:
.L_overlay_start_2:
0xbe: {  	(tag) =	ssettag $0x2  }
0xbf: {  	s0 =	rddreg [dreg:$0x0];
	s2 =	stileid.u32  }
0xc0: {  	s1 =	rddreg [dreg:$0x1];
	p0 =	sne.s32 s2, $0x0  }
0xc1: {  	s3 =	rddreg [dreg:$0x2];
	[bflag:$0x3] =	sbarrier.arrive $0xFFFF;
	s2 =	simm.s32 @!p0 $0x1C03  }
0xc2: {  	[timem:s3], [sflag:s2] =	dma.local @!p0 [hbm:s0], s1  }
0xc3: {  	s0 =	simm.s32 @!p0 $0x3  }
0xc4: {  	_ =	swait.ge @!p0 [sflag:s0], s1  }
0xc5: {  	s1 =	ssub.s32 @!p0 $0x0, s1;
	[sflag:s0] =	ssyncset.done @!p0 $0x0  }
0xc6: {  	[sflag:s0] =	ssyncadd.s32 @!p0 s1  }
0xc7: {  	[bflag:$0x3] =	sbarrier.arrive $0xFFFF  }
0xc8: {  	_ =	shalt  }

// kernel: kernel.14.cloned.1.call-start
scs
__scs_entry_jumppad:
0x0: {  	(pc) =	sbr.rel $0x88, $3  }
0x1: {  	(tag) =	ssettag $0x0;
	lr =	simm.s32 $0x1  }
0x2: {  	[smem:$0x3F9B] =	sst lr;
	_ =	strace $0xD0000000  }
0x3: {  	_ = 	snop  }
0x4: {  	_ = 	snop  }
0x5: {  	_ = 	snop  }
0x6: {  	_ = 	snop  }
0x7: {  	_ = 	snop  }
__scs_overlays_trampoline_lowered:
0x8: {  	[smem:$0x3FAA] =	sst s0  }
0x9: {  	[smem:$0x3FAB] =	sst s1  }
0xa: {  	[smem:$0x3FAC] =	sst s2  }
0xb: {  	[smem:$0x3FAD] =	sst s3  }
0xc: {  	[smem:$0x3FAE] =	sst s4  }
0xd: {  	[smem:$0x3FAF] =	sst s5  }
0xe: {  	[smem:$0x3FB0] =	sst s6  }
0xf: {  	[smem:$0x3FB1] =	sst s7  }
0x10: {  	[smem:$0x3FB2] =	sst s8  }
0x11: {  	[smem:$0x3FB3] =	sst s9;
	s0 =	simm.s32 @!p0 $0x0  }
0x12: {  	s1 =	sld [smem:$0x3F99];
	s0 =	simm.s32 @p0 $0x1  }
0x13: {  	[smem:$0x3FB4] =	sst s0;
	s0 =	simm.s32 @!p1 $0x0  }
0x14: {  	s2 =	sld [smem:$0x3F98];
	s0 =	simm.s32 @p1 $0x1  }
0x15: {  	[smem:$0x3FB5] =	sst s0;
	s0 =	simm.s32 @!p2 $0x0  }
0x16: {  	s3 =	sld [smem:$0x3FDB];
	s0 =	simm.s32 @p2 $0x1  }
0x17: {  	s4 =	simm.s32 $0x1BF5;
	[smem:$0x3FB7] =	sst s0  }
0x18: {  	s0 =	sld [smem:$0x3F9A];
	_ =	swait.ge [sflag:s4], $0x0  }
0x19: {  	s7 =	sld [smem:$0x3F9B]  }
0x1a: {  	s8 =	sadd.s32 $0xFFFFE003, lr  }
0x1b: {  	s9 =	sadd.s32 $0xFFFFFEF7, lr;
	s5 =	simm.s32 $0xFFFFFFFF;
	p2 =	slt.u32 s8, $0xFFFFF086  }
0x1c: {  	p1 =	slt.u32 s9, $0xF7A;
	s5 =	simm.s32 @!p2 $0x0  }
0x1d: {  	s5 =	simm.s32 @p1 $0x1;
	p0 =	seq.s32 s7, s2  }
0x1e: {  	s7 =	smul.u32 @!p0 $0xF7A, s2;
	p2 =	seq.s32 @!p0 s5, $0x0  }
0x1f: {  	s9 =	smul.u32 $0xF7A, s1;
	s8 =	simm.s32 @!p0 $0x1BF5;
	p2 =	por !p2, p0  }
0x20: {  	[sflag:s8] =	ssyncset.s32 @!p0 $0xFFFFF086;
	s6 =	sadd.s32 @!p0 s3, s7;
	s7 =	simm.s32 @!p0 $0x108  }
0x21: {  	s3 =	sadd.s32 s3, s9;
	s6 =	sadd.s32 @!p0 $0x88, s6;
	s7 =	simm.s32 @p2 $0x1082  }
0x22: {  	[simem:s7], [sflag:s8] =	dma.local @!p0 [hbm:s6], $0xF7A  }
0x23: {  	s9 =	sor.u32 $0xD0000000, s2;
	s6 =	simm.s32 $0x108;
	_ =	swait.ge @!p0 [sflag:s8], $0x0  }
0x24: {  	s3 =	sadd.s32 $0x88, s3;
	s6 =	simm.s32 @!p1 $0x1082;
	[sflag:s4] =	ssyncset.s32 $0xFFFFF086  }
0x25: {  	[simem:s6], [sflag:s4] =	dma.local [hbm:s3], $0xF7A  }
0x26: {  	[smem:$0x3F9B] =	sst s1;
	(tag) =	ssettag s2;
	_ =	strace s9  }
0x27: {  	s1 =	sld [smem:$0x3FAB]  }
0x28: {  	s2 =	sld [smem:$0x3FAC]  }
0x29: {  	s4 =	sld [smem:$0x3FAE]  }
0x2a: {  	p0 =	seq.s32 s5, $0x0;
	s5 =	sld [smem:$0x3FAF]  }
0x2b: {  	s6 =	sld [smem:$0x3FB0]  }
0x2c: {  	s7 =	sld [smem:$0x3FB1]  }
0x2d: {  	s3 =	simm.s32 $0x108;
	s8 =	sld [smem:$0x3FB2]  }
0x2e: {  	s3 =	simm.s32 @!p0 $0x1082;
	s9 =	sld [smem:$0x3FB3]  }
0x2f: {  	lr =	sadd.s32 s0, s3;
	s0 =	sld [smem:$0x3FAA]  }
0x30: {  	s3 =	sld [smem:$0x3FAD]  }
0x31: {  	[smem:$0x3FB6] =	sst s10  }
0x32: {  	s10 =	sld [smem:$0x3FB4];
	_ =	sdelay $0x3  }
0x33: {  	p0 =	seq.s32 s10, $0x1;
	s10 =	sld [smem:$0x3FB6];
	_ =	sdelay $0x3  }
0x34: {  	[smem:$0x3FB6] =	sst s10  }
0x35: {  	s10 =	sld [smem:$0x3FB5];
	_ =	sdelay $0x3  }
0x36: {  	p1 =	seq.s32 s10, $0x1;
	s10 =	sld [smem:$0x3FB6];
	_ =	sdelay $0x3  }
0x37: {  	[smem:$0x3FB6] =	sst s10  }
0x38: {  	s10 =	sld [smem:$0x3FB7]  }
0x39: {  	_ = 	snop;
	(pc) =	sbr.ind lr, $3  }
0x3a: {  	_ = 	snop  }
0x3b: {  	_ = 	snop  }
0x3c: {  	p2 =	seq.s32 s10, $0x1;
	s10 =	sld [smem:$0x3FB6]  }
0x3d: {  	_ =	shalt  }
0x3e: {  	_ =	shalt  }
0x3f: {  	_ =	shalt  }
0x40: {  	_ =	shalt  }
0x41: {  	_ =	shalt  }
0x42: {  	_ =	shalt  }
0x43: {  	_ =	shalt  }
0x44: {  	_ =	shalt  }
0x45: {  	_ =	shalt  }
0x46: {  	_ =	shalt  }
0x47: {  	_ =	shalt  }
0x48: {  	_ =	shalt  }
0x49: {  	_ =	shalt  }
0x4a: {  	_ =	shalt  }
0x4b: {  	_ =	shalt  }
0x4c: {  	_ =	shalt  }
0x4d: {  	_ =	shalt  }
0x4e: {  	_ =	shalt  }
0x4f: {  	_ =	shalt  }
0x50: {  	_ =	shalt  }
0x51: {  	_ =	shalt  }
0x52: {  	_ =	shalt  }
0x53: {  	_ =	shalt  }
0x54: {  	_ =	shalt  }
0x55: {  	_ =	shalt  }
0x56: {  	_ =	shalt  }
0x57: {  	_ =	shalt  }
0x58: {  	_ =	shalt  }
0x59: {  	_ =	shalt  }
0x5a: {  	_ =	shalt  }
0x5b: {  	_ =	shalt  }
0x5c: {  	_ =	shalt  }
0x5d: {  	_ =	shalt  }
0x5e: {  	_ =	shalt  }
0x5f: {  	_ =	shalt  }
0x60: {  	_ =	shalt  }
0x61: {  	_ =	shalt  }
0x62: {  	_ =	shalt  }
0x63: {  	_ =	shalt  }
0x64: {  	_ =	shalt  }
0x65: {  	_ =	shalt  }
0x66: {  	_ =	shalt  }
0x67: {  	_ =	shalt  }
0x68: {  	_ =	shalt  }
0x69: {  	_ =	shalt  }
0x6a: {  	_ =	shalt  }
0x6b: {  	_ =	shalt  }
0x6c: {  	_ =	shalt  }
0x6d: {  	_ =	shalt  }
0x6e: {  	_ =	shalt  }
0x6f: {  	_ =	shalt  }
0x70: {  	_ =	shalt  }
0x71: {  	_ =	shalt  }
0x72: {  	_ =	shalt  }
0x73: {  	_ =	shalt  }
0x74: {  	_ =	shalt  }
0x75: {  	_ =	shalt  }
0x76: {  	_ =	shalt  }
0x77: {  	_ =	shalt  }
0x78: {  	_ =	shalt  }
0x79: {  	_ =	shalt  }
0x7a: {  	_ =	shalt  }
0x7b: {  	_ =	shalt  }
0x7c: {  	_ =	shalt  }
0x7d: {  	_ =	shalt  }
0x7e: {  	_ =	shalt  }
0x7f: {  	_ =	shalt  }
0x80: {  	_ =	shalt  }
0x81: {  	_ =	shalt  }
0x82: {  	_ =	shalt  }
0x83: {  	_ =	shalt  }
0x84: {  	_ =	shalt  }
0x85: {  	_ =	shalt  }
0x86: {  	_ =	shalt  }
0x87: {  	_ =	shalt  }
.Lfunc_end0:
.L_simem_size_0:
called_computation.2_lowered:
.L_overlay_start_0:
0x88: {  	s2 =	sld [smem:$0x3FD9]  }
0x89: {  	s3 =	sld [smem:$0x3FFE];
	_ =	sdelay $0x1  }
0x8a: {  	s1 =	srdreg.scid  }
0x8b: {  	s0 =	sand.u32 $0x1, s1  }
0x8c: {  	s17 =	sshll.u32 s0, $0xA;
	s2 =	sadd.s32 s3, s2  }
0x8d: {  	s2 =	sadd.s32 s2, s17  }
0x8e: {  	[smem:$0x3FC2] =	sst s2  }
0x8f: {  	_ = 	snop  }
0x90: {  	s2 =	sld [smem:$0x3FD0];
	(tm) =	ssettm $0x1  }
0x91: {  	s18 =	sld [smem:$0x3FFB];
	_ =	sdelay $0x3  }
0x92: {  	_ =	strace s18  }
0x93: {  	s3 =	sld [smem:$0x3FFC];
	_ =	sdelay $0x3  }
0x94: {  	_ =	strace s3  }
0x95: {  	s3 =	sld [smem:$0x3FFD];
	_ =	sdelay $0x3  }
0x96: {  	_ =	strace s3  }
0x97: {  	_ =	strace $0x8FFFFFFF  }
0x98: {  	s19 =	sld [smem:$0x3FDB];
	_ =	sdelay $0x1  }
0x99: {  	s4 =	simm.s32 $_scs_section_size  }
0x9a: {  	s5 =	simm.s32 $_size__tile_overlayer_lowered;
	s6 =	simm.s32 $_tile_overlayer_lowered  }
0x9b: {  	s22 =	simm.s32 $0x1BFF;
	s21 =	sshll.u32 s6, $0x1;
	s3 =	sadd.s32 s4, s19  }
0x9c: {  	s7 =	simm.s32 $0x0;
	s20 =	sshll.u32 s5, $0x1;
	s5 =	sadd.s32 s21, s3  }
0x9d: {  	[timem:s7], [sflag:s22] =	dma.local [hbm:s5], s20  }
0x9e: {  	_ =	swait.ge [sflag:s22], s20  }
0x9f: {  	s4 =	ssub.s32 $0x0, s20;
	[sflag:s22] =	ssyncset.done $0x0  }
0xa0: {  	[sflag:s22] =	ssyncadd.s32 s4;
	_ =	sdelay $0x1  }
0xa1: {  	s23 =	simm.s32 $0x1B8B  }
0xa2: {  	_ =	swait.ge [sflag:s23], $0x1  }
0xa3: {  	[sflag:s23] =	ssyncset.done $0x0  }
0xa4: {  	s25 =	simm.s32 $0x1B8E;
	s24 =	sld [smem:$0x3FFE];
	[sflag:s23] =	ssyncadd.s32 $0xFFFFFFFF  }
0xa5: {  	s26 =	simm.s32 $execute0_lowered;
	[smem:$0x3FD2] =	sst s25  }
0xa6: {  	s5 =	sshll.u32 s26, $0x1;
	_ =	strace $0x8000004C;
	[dreg:$0x1] =	wrdreg $0xFFFFFFFF  }
0xa7: {  	s28 =	simm.s32 $_size_execute0_lowered;
	s3 =	sadd.s32 s3, s5;
	[dreg:$0x0] =	wrdreg $0x0  }
0xa8: {  	s5 =	sshll.u32 s28, $0x1;
	[dreg:$0x2] =	wrdreg s3  }
0xa9: {  	[dreg:$0x3] =	wrdreg s5  }
0xaa: {  	[dreg:$0x4] =	wrdreg $0xC0  }
0xab: {  	_ =	task [dreg:s7], $0x5FFFF  }
0xac: {  	[dreg:$0x1] =	wrdreg $0xFFFFFFFF  }
0xad: {  	[dreg:$0x0] =	wrdreg $0x60  }
0xae: {  	[dreg:$0x2] =	wrdreg s24  }
0xaf: {  	[dreg:$0x3] =	wrdreg s2  }
0xb0: {  	[dreg:$0x4] =	wrdreg $0xA8000  }
0xb1: {  	[dreg:$0x5] =	wrdreg $0x9  }
0xb2: {  	_ =	task.clear_ibuf [dreg:s7], $0x6FFFF;
	_ =	strace $0x9000004C  }
0xb3: {  	s29 =	simm.s32 $0x9;
	_ =	strace $0x8000004E  }
0xb4: {  	_ =	swait.ge [sflag:s29], $0x1  }
0xb5: {  	[sflag:s29] =	ssyncadd.s32 $0xFFFFFFFF  }
0xb6: {  	_ =	strace $0x9000004E  }
0xb7: {  	_ =	sfence  }
0xb8: {  	s30 =	sld [smem:$0x0];
	_ =	sdelay $0x2  }
0xb9: {  	s31 =	sshll.u32 s1, $0xD;
	s1 =	sshrl.u32 s1, $0x2  }
0xba: {  	s3 =	sand.u32 $0x4000, s31;
	s1 =	sadd.s32 s1, s30  }
0xbb: {  	s0 =	sor.u32 s3, s0;
	s1 =	sshll.u32 s1, $0x11  }
0xbc: {  	s0 =	sor.u32 s1, s0  }
0xbd: {  	s0 =	sadd.s32 $0x8F2B, s0  }
0xbe: {  	[sflag:s0] =	ssyncadd.remote.s32 $0x1  }
0xbf: {  	_ =	sfence.sel $0xFFFF  }
0xc0: {  	[dreg:$0x0] =	wrdreg $0xFFFFFFFF;
	(pc) =	sbr.abs _section_cstart, $3  }
0xc1: {  	[dreg:$0x1] =	wrdreg $0xFFFFFFFF  }
0xc2: {  	_ =	task.clear_ibuf [dreg:s7], $0x2FFFF;
	_ =	strace $0x9FFFFFFF  }
0xc3: {  	(tm) =	ssettm $0x7FFFFFFF  }
tec
execute0_lowered:
.L_overlay_start_1:
0x0: {  	(tag) =	ssettag $0x1  }
0x1: {  	s5 =	rddreg [dreg:$0x0]  }
0x2: {  	s10 =	rddreg [dreg:$0x1]  }
0x3: {  	s2 =	rddreg [dreg:$0x2]  }
0x4: {  	s0 =	rddreg [dreg:$0x3];
	s3 =	simm.s32 $0x0;
	s1 =	stileid.u32  }
0x5: {  	s4 =	srdreg.scid;
	s15 =	simm.s32 $0x80;
	s16 =	simm.s32 $0x2800  }
0x6: {  	s17 =	simm.s32 $0x6800;
	s18 =	simm.s32 $0x1;
	s19 =	simm.s32 $0x2  }
0x7: {  	s20 =	simm.s32 $0x1380;
	s21 =	simm.s32 $0x2700;
	s22 =	simm.s32 $0x2780  }
0x8: {  	[smem:$0x7FF] =	sst s3;
	s23 =	smul.u32 $0x2800, s1;
	s6 =	sand.u32 $0x1, s4  }
0x9: {  	s4 =	sadd.s32 $0x85200, s5;
	s11 =	sadd.s32 $0x2A00, s5;
	s8 =	smul.u32 $0x50000, s1  }
0xa: {  	s13 =	sshll.u32 s1, $0x1;
	s30 =	sshll.u32 s1, $0x6;
	_ =	strace $0x8000004D  }
0xb: {  	s7 =	smul.u32 $0x28000, s6;
	s28 =	ssub.s32 $0x2, s6;
	s6 =	sor.u32 s6, s13  }
0xc: {  	s13 =	simm.s32 $0x3;
	s9 =	sadd.s32 s23, s5;
	s12 =	sshrl.u32 s28, $0x1  }
0xd: {  	s8 =	sshrl.u32 s8, $0x2;
	s14 =	smul.u32 $0x500, s6;
	s6 =	sor.u32 $0x1C03, s30  }
0xe: {  	s7 =	sadd.s32 s7, s5;
	s12 =	ssub.s32 s28, s12;
	s29 =	sadd.s32 s8, s2  }
0xf: {  	s5 =	sadd.s32 $0xD200, s9;
	s24 =	sadd.s32 $0xAD200, s7;
	s7 =	smax.u32 s12, $0x1  }
0x10: {  	s8 =	sadd.s32 s10, s14;
	s9 =	sadd.s32 s11, s14;
	s31 =	sadd.s32 $0x280, s14  }
0x11: {  	s12 =	sshrl.u32 s29, $0x3;
	s14 =	simm.s32 $0x1400;
	s10 =	sadd.s32 s10, s31  }
0x12: {  	s11 =	sadd.s32 s11, s31;
	s23 =	sadd.s32 s23, s24;
	s24 =	simm.s32 $0x0  }
.LBB2_1:
0x13: {  	[spmem:s12], [sflag:s6] =	dma.local [hbm:s5], $0x2800  }
0x14: {  	_ =	swait.ge [sflag:s13], $0x2800  }
0x15: {  	[sflag:s13] =	ssyncset.done $0x0  }
0x16: {  	[sflag:s13] =	ssyncadd.s32 $0xFFFFD800  }
0x17: {  	[bflag:$0x0] =	sbarrier.arrive $0xFFFF  }
0x18: {  	[tilespmem:s3], [sflag:$0x3] =	stream.linear.gather [hbm4b:s8+s3], $0x1400, $0x38;
	[tilespmem:$0x1E800] =	vst v63  }
0x19: {  	_ =	swait.ge [sflag:s13], $0x1400  }
0x1a: {  	[sflag:s13] =	ssyncset.done $0x0  }
0x1b: {  	[sflag:s13] =	ssyncadd.s32 $0xFFFFEC00  }
0x1c: {  	[tilespmem:s14], [sflag:$0x3] =	stream.linear.gather [hbm4b:s9+s3], $0x1400, $0x38;
	[tilespmem:$0x1E800] =	vst v63  }
0x1d: {  	_ =	swait.ge [sflag:s13], $0x1400  }
0x1e: {  	[sflag:s13] =	ssyncset.done $0x0  }
0x1f: {  	[sflag:s13] =	ssyncadd.s32 $0xFFFFEC00  }
0x20: {  	[tilespmem:s16], [sflag:$0x1] =	stream.indirect.gather [hbm4b:s4+s15], $0x80, s3, s15, $0xb8;
	[tilespmem:$0x1E800] =	vst v63  }
0x21: {  	s25 =	simm.s32 $0x80  }
0x22: {  	[tilespmem:s17], [sflag:$0x2] =	stream.indirect.gather [hbm4b:s4+s15], $0x80, s25, s15, $0xb8;
	[tilespmem:$0x1E800] =	vst v63  }
0x23: {  	_ =	swait.ge [sflag:s18], $0x4000  }
0x24: {  	[sflag:s18] =	ssyncset.done $0x0  }
0x25: {  	s29 =	simm.s32 $0x1400;
	[sflag:s18] =	ssyncadd.s32 $0xFFFFC000  }
0x26: {  	[spmem:s2] =	stream.indirect.scatter.add.f32 [tilespmem:s16], [sflag:$0x3], $0x80, s29, s15, $0xb8;
	[tilespmem:$0x1E800] =	vst v63  }
0x27: {  	_ =	swait.ge [sflag:s13], $0x4000  }
0x28: {  	[sflag:s13] =	ssyncset.done $0x0  }
0x29: {  	s30 =	simm.s32 $0x100;
	[sflag:s13] =	ssyncadd.s32 $0xFFFFC000  }
0x2a: {  	[tilespmem:s16], [sflag:$0x1] =	stream.indirect.gather [hbm4b:s4+s15], $0x80, s30, s15, $0xb8;
	[tilespmem:$0x1E800] =	vst v63  }
0x2b: {  	_ =	swait.ge [sflag:s19], $0x4000  }
0x2c: {  	[sflag:s19] =	ssyncset.done $0x0  }
0x2d: {  	s31 =	simm.s32 $0x1480;
	[sflag:s19] =	ssyncadd.s32 $0xFFFFC000  }
0x2e: {  	[spmem:s2] =	stream.indirect.scatter.add.f32 [tilespmem:s17], [sflag:$0x3], $0x80, s31, s15, $0xb8;
	[tilespmem:$0x1E800] =	vst v63  }
0x2f: {  	_ =	swait.ge [sflag:s13], $0x4000  }
0x30: {  	s26 =	simm.s32 $0x800;
	s25 =	simm.s32 $0x100;
	[sflag:s13] =	ssyncset.done $0x0  }
.LBB2_2:
0x31: {  	s28 =	sadd.s32 $0x80, s25  }
0x32: {  	[sflag:s13] =	ssyncadd.s32 $0xFFFFC000;
	s29 =	smov.u32 s26;
	s30 =	sadd.s32 $0x400, s26  }
0x33: {  	[tilespmem:s17], [sflag:$0x2] =	stream.indirect.gather [hbm4b:s4+s15], $0x80, s28, s15, $0xb8;
	[tilespmem:$0x1E800] =	vst v63  }
0x34: {  	p0 =	sne.s32 s26, $0x4800;
	_ =	swait.ge [sflag:s18], $0x4000  }
0x35: {  	[sflag:s18] =	ssyncset.done $0x0  }
0x36: {  	s26 =	sadd.s32 $0x1400, s25;
	[sflag:s18] =	ssyncadd.s32 $0xFFFFC000  }
0x37: {  	[spmem:s2] =	stream.indirect.scatter.add.f32 [tilespmem:s16], [sflag:$0x3], $0x80, s26, s15, $0xb8;
	[tilespmem:$0x1E800] =	vst v63  }
0x38: {  	_ =	swait.ge [sflag:s13], $0x4000  }
0x39: {  	[sflag:s13] =	ssyncset.done $0x0  }
0x3a: {  	s26 =	sadd.s32 $0x100, s25;
	[sflag:s13] =	ssyncadd.s32 $0xFFFFC000  }
0x3b: {  	[tilespmem:s16], [sflag:$0x1] =	stream.indirect.gather [hbm4b:s4+s15], $0x80, s26, s15, $0xb8;
	[tilespmem:$0x1E800] =	vst v63  }
0x3c: {  	_ =	swait.ge [sflag:s19], $0x4000  }
.Ltmp0:
0x3d: {  	[sflag:s19] =	ssyncset.done $0x0;
	(pc) =	sbr.rel @p0 .LBB2_2-.Ltmp0, $4  }
0x3e: {  	s25 =	sadd.s32 $0x1480, s25;
	[sflag:s19] =	ssyncadd.s32 $0xFFFFC000  }
0x3f: {  	[spmem:s2] =	stream.indirect.scatter.add.f32 [tilespmem:s17], [sflag:$0x3], $0x80, s25, s15, $0xb8;
	[tilespmem:$0x1E800] =	vst v63  }
0x40: {  	_ =	swait.ge [sflag:s13], $0x4000  }
0x41: {  	s26 =	smov.u32 s30;
	s25 =	sshra.s32 s29, $0x2;
	[sflag:s13] =	ssyncset.done $0x0  }
0x42: {  	s26 =	sadd.s32 $0x80, s25;
	[sflag:s13] =	ssyncadd.s32 $0xFFFFC000  }
0x43: {  	[tilespmem:s17], [sflag:$0x2] =	stream.indirect.gather [hbm4b:s4+s15], $0x80, s26, s15, $0xb8;
	[tilespmem:$0x1E800] =	vst v63  }
0x44: {  	_ =	swait.ge [sflag:s18], $0x4000  }
0x45: {  	[sflag:s18] =	ssyncset.done $0x0  }
0x46: {  	s29 =	sadd.s32 $0x1400, s25;
	[sflag:s18] =	ssyncadd.s32 $0xFFFFC000  }
0x47: {  	[spmem:s2] =	stream.indirect.scatter.add.f32 [tilespmem:s16], [sflag:$0x3], $0x80, s29, s15, $0xb8;
	[tilespmem:$0x1E800] =	vst v63  }
0x48: {  	_ =	swait.ge [sflag:s13], $0x4000  }
0x49: {  	[sflag:s13] =	ssyncset.done $0x0  }
0x4a: {  	s30 =	sadd.s32 $0x100, s25;
	[sflag:s13] =	ssyncadd.s32 $0xFFFFC000  }
0x4b: {  	[tilespmem:s16], [sflag:$0x1] =	stream.indirect.gather [hbm4b:s4+s15], $0x80, s30, s15, $0xb8;
	[tilespmem:$0x1E800] =	vst v63  }
0x4c: {  	_ =	swait.ge [sflag:s19], $0x4000  }
0x4d: {  	[sflag:s19] =	ssyncset.done $0x0  }
0x4e: {  	s31 =	sadd.s32 $0x1480, s25;
	[sflag:s19] =	ssyncadd.s32 $0xFFFFC000  }
0x4f: {  	[spmem:s2] =	stream.indirect.scatter.add.f32 [tilespmem:s17], [sflag:$0x3], $0x80, s31, s15, $0xb8;
	[tilespmem:$0x1E800] =	vst v63  }
0x50: {  	_ =	swait.ge [sflag:s13], $0x4000  }
0x51: {  	[sflag:s13] =	ssyncset.done $0x0  }
0x52: {  	[sflag:s13] =	ssyncadd.s32 $0xFFFFC000  }
0x53: {  	[tilespmem:s17], [sflag:$0x2] =	stream.indirect.gather [hbm4b:s4+s15], $0x80, s20, s15, $0xb8;
	[tilespmem:$0x1E800] =	vst v63  }
0x54: {  	_ =	swait.ge [sflag:s18], $0x4000  }
0x55: {  	[sflag:s18] =	ssyncset.done $0x0  }
0x56: {  	[sflag:s18] =	ssyncadd.s32 $0xFFFFC000  }
0x57: {  	[spmem:s2] =	stream.indirect.scatter.add.f32 [tilespmem:s16], [sflag:$0x3], $0x80, s21, s15, $0xb8;
	[tilespmem:$0x1E800] =	vst v63  }
0x58: {  	_ =	swait.ge [sflag:s13], $0x4000  }
0x59: {  	[sflag:s13] =	ssyncset.done $0x0  }
0x5a: {  	[sflag:s13] =	ssyncadd.s32 $0xFFFFC000  }
0x5b: {  	[tilespmem:s16], [sflag:$0x1] =	stream.indirect.gather [hbm4b:s4+s15], $0x80, s20, s15, $0xb8;
	[tilespmem:$0x1E800] =	vst v63  }
0x5c: {  	_ =	swait.ge [sflag:s19], $0x4000  }
0x5d: {  	[sflag:s19] =	ssyncset.done $0x0  }
0x5e: {  	[sflag:s19] =	ssyncadd.s32 $0xFFFFC000  }
0x5f: {  	[spmem:s2] =	stream.indirect.scatter.add.f32 [tilespmem:s17], [sflag:$0x3], $0x80, s22, s15, $0xb8;
	[tilespmem:$0x1E800] =	vst v63  }
0x60: {  	_ =	swait.ge [sflag:s13], $0x4000  }
0x61: {  	[sflag:s13] =	ssyncset.done $0x0  }
0x62: {  	[sflag:s13] =	ssyncadd.s32 $0xFFFFC000  }
0x63: {  	_ =	swait.ge [sflag:s18], $0x4000  }
0x64: {  	[sflag:s18] =	ssyncset.done $0x0  }
0x65: {  	s26 =	simm.s32 $0x0;
	[sflag:s18] =	ssyncadd.s32 $0xFFFFC000  }
0x66: {  	[tilespmem:s26], [sflag:$0x3] =	stream.linear.gather [hbm4b:s10+s26], $0x1400, $0x38;
	[tilespmem:$0x1E800] =	vst v63  }
0x67: {  	_ =	swait.ge [sflag:s13], $0x1400  }
0x68: {  	[sflag:s13] =	ssyncset.done $0x0  }
0x69: {  	[sflag:s13] =	ssyncadd.s32 $0xFFFFEC00  }
0x6a: {  	[tilespmem:s14], [sflag:$0x3] =	stream.linear.gather [hbm4b:s11+s26], $0x1400, $0x38;
	[tilespmem:$0x1E800] =	vst v63  }
0x6b: {  	_ =	swait.ge [sflag:s13], $0x1400  }
0x6c: {  	[sflag:s13] =	ssyncset.done $0x0  }
0x6d: {  	[sflag:s13] =	ssyncadd.s32 $0xFFFFEC00  }
0x6e: {  	[tilespmem:s16], [sflag:$0x1] =	stream.indirect.gather [hbm4b:s4+s15], $0x80, s26, s15, $0xb8;
	[tilespmem:$0x1E800] =	vst v63  }
0x6f: {  	s28 =	simm.s32 $0x80  }
0x70: {  	[tilespmem:s17], [sflag:$0x2] =	stream.indirect.gather [hbm4b:s4+s15], $0x80, s28, s15, $0xb8;
	[tilespmem:$0x1E800] =	vst v63  }
0x71: {  	_ =	swait.ge [sflag:s18], $0x4000  }
0x72: {  	[sflag:s18] =	ssyncset.done $0x0  }
0x73: {  	s29 =	simm.s32 $0x1400;
	[sflag:s18] =	ssyncadd.s32 $0xFFFFC000  }
0x74: {  	[spmem:s2] =	stream.indirect.scatter.add.f32 [tilespmem:s16], [sflag:$0x3], $0x80, s29, s15, $0xb8;
	[tilespmem:$0x1E800] =	vst v63  }
0x75: {  	_ =	swait.ge [sflag:s13], $0x4000  }
0x76: {  	[sflag:s13] =	ssyncset.done $0x0  }
0x77: {  	s30 =	simm.s32 $0x100;
	[sflag:s13] =	ssyncadd.s32 $0xFFFFC000  }
0x78: {  	[tilespmem:s16], [sflag:$0x1] =	stream.indirect.gather [hbm4b:s4+s15], $0x80, s30, s15, $0xb8;
	[tilespmem:$0x1E800] =	vst v63  }
0x79: {  	_ =	swait.ge [sflag:s19], $0x4000  }
0x7a: {  	[sflag:s19] =	ssyncset.done $0x0  }
0x7b: {  	s31 =	simm.s32 $0x1480;
	[sflag:s19] =	ssyncadd.s32 $0xFFFFC000  }
0x7c: {  	[spmem:s2] =	stream.indirect.scatter.add.f32 [tilespmem:s17], [sflag:$0x3], $0x80, s31, s15, $0xb8;
	[tilespmem:$0x1E800] =	vst v63  }
0x7d: {  	_ =	swait.ge [sflag:s13], $0x4000  }
0x7e: {  	s25 =	simm.s32 $0x100;
	s26 =	simm.s32 $0x800;
	[sflag:s13] =	ssyncset.done $0x0  }
.LBB2_4:
0x7f: {  	s28 =	sadd.s32 $0x80, s25  }
0x80: {  	[sflag:s13] =	ssyncadd.s32 $0xFFFFC000;
	s29 =	smov.u32 s26;
	s30 =	sadd.s32 $0x400, s26  }
0x81: {  	[tilespmem:s17], [sflag:$0x2] =	stream.indirect.gather [hbm4b:s4+s15], $0x80, s28, s15, $0xb8;
	[tilespmem:$0x1E800] =	vst v63  }
0x82: {  	p0 =	sne.s32 s26, $0x4800;
	_ =	swait.ge [sflag:s18], $0x4000  }
0x83: {  	[sflag:s18] =	ssyncset.done $0x0  }
0x84: {  	s26 =	sadd.s32 $0x1400, s25;
	[sflag:s18] =	ssyncadd.s32 $0xFFFFC000  }
0x85: {  	[spmem:s2] =	stream.indirect.scatter.add.f32 [tilespmem:s16], [sflag:$0x3], $0x80, s26, s15, $0xb8;
	[tilespmem:$0x1E800] =	vst v63  }
0x86: {  	_ =	swait.ge [sflag:s13], $0x4000  }
0x87: {  	[sflag:s13] =	ssyncset.done $0x0  }
0x88: {  	s26 =	sadd.s32 $0x100, s25;
	[sflag:s13] =	ssyncadd.s32 $0xFFFFC000  }
0x89: {  	[tilespmem:s16], [sflag:$0x1] =	stream.indirect.gather [hbm4b:s4+s15], $0x80, s26, s15, $0xb8;
	[tilespmem:$0x1E800] =	vst v63  }
0x8a: {  	_ =	swait.ge [sflag:s19], $0x4000  }
.Ltmp1:
0x8b: {  	[sflag:s19] =	ssyncset.done $0x0;
	(pc) =	sbr.rel @p0 .LBB2_4-.Ltmp1, $4  }
0x8c: {  	s25 =	sadd.s32 $0x1480, s25;
	[sflag:s19] =	ssyncadd.s32 $0xFFFFC000  }
0x8d: {  	[spmem:s2] =	stream.indirect.scatter.add.f32 [tilespmem:s17], [sflag:$0x3], $0x80, s25, s15, $0xb8;
	[tilespmem:$0x1E800] =	vst v63  }
0x8e: {  	_ =	swait.ge [sflag:s13], $0x4000  }
0x8f: {  	s26 =	smov.u32 s30;
	s25 =	sshra.s32 s29, $0x2;
	[sflag:s13] =	ssyncset.done $0x0  }
0x90: {  	s26 =	sadd.s32 $0x80, s25;
	[sflag:s13] =	ssyncadd.s32 $0xFFFFC000  }
0x91: {  	[tilespmem:s17], [sflag:$0x2] =	stream.indirect.gather [hbm4b:s4+s15], $0x80, s26, s15, $0xb8;
	[tilespmem:$0x1E800] =	vst v63  }
0x92: {  	_ =	swait.ge [sflag:s18], $0x4000  }
0x93: {  	[sflag:s18] =	ssyncset.done $0x0  }
0x94: {  	s29 =	sadd.s32 $0x1400, s25;
	[sflag:s18] =	ssyncadd.s32 $0xFFFFC000  }
0x95: {  	[spmem:s2] =	stream.indirect.scatter.add.f32 [tilespmem:s16], [sflag:$0x3], $0x80, s29, s15, $0xb8;
	[tilespmem:$0x1E800] =	vst v63  }
0x96: {  	_ =	swait.ge [sflag:s13], $0x4000  }
0x97: {  	[sflag:s13] =	ssyncset.done $0x0  }
0x98: {  	s30 =	sadd.s32 $0x100, s25;
	[sflag:s13] =	ssyncadd.s32 $0xFFFFC000  }
0x99: {  	[tilespmem:s16], [sflag:$0x1] =	stream.indirect.gather [hbm4b:s4+s15], $0x80, s30, s15, $0xb8;
	[tilespmem:$0x1E800] =	vst v63  }
0x9a: {  	_ =	swait.ge [sflag:s19], $0x4000  }
0x9b: {  	[sflag:s19] =	ssyncset.done $0x0  }
0x9c: {  	s31 =	sadd.s32 $0x1480, s25;
	[sflag:s19] =	ssyncadd.s32 $0xFFFFC000  }
0x9d: {  	[spmem:s2] =	stream.indirect.scatter.add.f32 [tilespmem:s17], [sflag:$0x3], $0x80, s31, s15, $0xb8;
	[tilespmem:$0x1E800] =	vst v63  }
0x9e: {  	_ =	swait.ge [sflag:s13], $0x4000  }
0x9f: {  	[sflag:s13] =	ssyncset.done $0x0  }
0xa0: {  	[sflag:s13] =	ssyncadd.s32 $0xFFFFC000  }
0xa1: {  	[tilespmem:s17], [sflag:$0x2] =	stream.indirect.gather [hbm4b:s4+s15], $0x80, s20, s15, $0xb8;
	[tilespmem:$0x1E800] =	vst v63  }
0xa2: {  	_ =	swait.ge [sflag:s18], $0x4000  }
0xa3: {  	[sflag:s18] =	ssyncset.done $0x0  }
0xa4: {  	[sflag:s18] =	ssyncadd.s32 $0xFFFFC000  }
0xa5: {  	[spmem:s2] =	stream.indirect.scatter.add.f32 [tilespmem:s16], [sflag:$0x3], $0x80, s21, s15, $0xb8;
	[tilespmem:$0x1E800] =	vst v63  }
0xa6: {  	_ =	swait.ge [sflag:s13], $0x4000  }
0xa7: {  	[sflag:s13] =	ssyncset.done $0x0  }
0xa8: {  	[sflag:s13] =	ssyncadd.s32 $0xFFFFC000  }
0xa9: {  	[tilespmem:s16], [sflag:$0x1] =	stream.indirect.gather [hbm4b:s4+s15], $0x80, s20, s15, $0xb8;
	[tilespmem:$0x1E800] =	vst v63  }
0xaa: {  	_ =	swait.ge [sflag:s19], $0x4000  }
0xab: {  	[sflag:s19] =	ssyncset.done $0x0  }
0xac: {  	[sflag:s19] =	ssyncadd.s32 $0xFFFFC000  }
0xad: {  	[spmem:s2] =	stream.indirect.scatter.add.f32 [tilespmem:s17], [sflag:$0x3], $0x80, s22, s15, $0xb8;
	[tilespmem:$0x1E800] =	vst v63  }
0xae: {  	_ =	swait.ge [sflag:s13], $0x4000  }
0xaf: {  	[sflag:s13] =	ssyncset.done $0x0  }
0xb0: {  	[sflag:s13] =	ssyncadd.s32 $0xFFFFC000  }
0xb1: {  	_ =	swait.ge [sflag:s18], $0x4000  }
0xb2: {  	s24 =	sadd.s32 $0x1, s24;
	[sflag:s18] =	ssyncset.done $0x0  }
0xb3: {  	p0 =	sne.s32 s24, s7;
	[sflag:s18] =	ssyncadd.s32 $0xFFFFC000  }
.Ltmp2:
0xb4: {  	[bflag:$0x0] =	sbarrier.arrive $0xFFFF;
	(pc) =	sbr.rel @p0 .LBB2_1-.Ltmp2, $4  }
0xb5: {  	[hbm:s23], [sflag:s6] =	dma.local [spmem:s12], $0x2800  }
0xb6: {  	_ =	swait.ge [sflag:s13], $0x2800  }
0xb7: {  	[sflag:s13] =	ssyncset.done $0x0  }
0xb8: {  	[sflag:s13] =	ssyncadd.s32 $0xFFFFD800  }
0xb9: {  	_ =	sfence.sel $0x180000  }
0xba: {  	[bflag:$0x0] =	sbarrier.arrive $0xFFFF  }
0xbb: {  	p0 =	sne.s32 s1, $0x0;
	_ =	strace $0x9000004D  }
0xbc: {  	s0 =	sadd.s32 @!p0 $0x100000, s0;
	[bflag:$0x2] =	sbarrier.arrive $0xFFFF  }
0xbd: {  	[sflag:s0] =	ssyncadd.tile.s32 @!p0 $0x1;
	_ =	shalt  }
.Lfunc_end2:
_tile_overlayer_lowered:
.L_overlay_start_2:
0xbe: {  	(tag) =	ssettag $0x2  }
0xbf: {  	s0 =	rddreg [dreg:$0x0];
	s2 =	stileid.u32  }
0xc0: {  	s1 =	rddreg [dreg:$0x1];
	p0 =	sne.s32 s2, $0x0  }
0xc1: {  	s3 =	rddreg [dreg:$0x2];
	[bflag:$0x3] =	sbarrier.arrive $0xFFFF;
	s2 =	simm.s32 @!p0 $0x1C03  }
0xc2: {  	[timem:s3], [sflag:s2] =	dma.local @!p0 [hbm:s0], s1  }
0xc3: {  	s0 =	simm.s32 @!p0 $0x3  }
0xc4: {  	_ =	swait.ge @!p0 [sflag:s0], s1  }
0xc5: {  	s1 =	ssub.s32 @!p0 $0x0, s1;
	[sflag:s0] =	ssyncset.done @!p0 $0x0  }
0xc6: {  	[sflag:s0] =	ssyncadd.s32 @!p0 s1  }
0xc7: {  	[bflag:$0x3] =	sbarrier.arrive $0xFFFF  }
0xc8: {  	_ =	shalt  }

// kernel: kernel.8.cloned.1.call-start
scs
__scs_entry_jumppad:
0x0: {  	(pc) =	sbr.rel $0x88, $3  }
0x1: {  	(tag) =	ssettag $0x0;
	lr =	simm.s32 $0x1  }
0x2: {  	[smem:$0x3F9B] =	sst lr;
	_ =	strace $0xD0000000  }
0x3: {  	_ = 	snop  }
0x4: {  	_ = 	snop  }
0x5: {  	_ = 	snop  }
0x6: {  	_ = 	snop  }
0x7: {  	_ = 	snop  }
__scs_overlays_trampoline_lowered:
0x8: {  	[smem:$0x3FAA] =	sst s0  }
0x9: {  	[smem:$0x3FAB] =	sst s1  }
0xa: {  	[smem:$0x3FAC] =	sst s2  }
0xb: {  	[smem:$0x3FAD] =	sst s3  }
0xc: {  	[smem:$0x3FAE] =	sst s4  }
0xd: {  	[smem:$0x3FAF] =	sst s5  }
0xe: {  	[smem:$0x3FB0] =	sst s6  }
0xf: {  	[smem:$0x3FB1] =	sst s7  }
0x10: {  	[smem:$0x3FB2] =	sst s8  }
0x11: {  	[smem:$0x3FB3] =	sst s9;
	s0 =	simm.s32 @!p0 $0x0  }
0x12: {  	s1 =	sld [smem:$0x3F99];
	s0 =	simm.s32 @p0 $0x1  }
0x13: {  	[smem:$0x3FB4] =	sst s0;
	s0 =	simm.s32 @!p1 $0x0  }
0x14: {  	s2 =	sld [smem:$0x3F98];
	s0 =	simm.s32 @p1 $0x1  }
0x15: {  	[smem:$0x3FB5] =	sst s0;
	s0 =	simm.s32 @!p2 $0x0  }
0x16: {  	s3 =	sld [smem:$0x3FDB];
	s0 =	simm.s32 @p2 $0x1  }
0x17: {  	s4 =	simm.s32 $0x1BF5;
	[smem:$0x3FB7] =	sst s0  }
0x18: {  	s0 =	sld [smem:$0x3F9A];
	_ =	swait.ge [sflag:s4], $0x0  }
0x19: {  	s7 =	sld [smem:$0x3F9B]  }
0x1a: {  	s8 =	sadd.s32 $0xFFFFE003, lr  }
0x1b: {  	s9 =	sadd.s32 $0xFFFFFEF7, lr;
	s5 =	simm.s32 $0xFFFFFFFF;
	p2 =	slt.u32 s8, $0xFFFFF086  }
0x1c: {  	p1 =	slt.u32 s9, $0xF7A;
	s5 =	simm.s32 @!p2 $0x0  }
0x1d: {  	s5 =	simm.s32 @p1 $0x1;
	p0 =	seq.s32 s7, s2  }
0x1e: {  	s7 =	smul.u32 @!p0 $0xF7A, s2;
	p2 =	seq.s32 @!p0 s5, $0x0  }
0x1f: {  	s9 =	smul.u32 $0xF7A, s1;
	s8 =	simm.s32 @!p0 $0x1BF5;
	p2 =	por !p2, p0  }
0x20: {  	[sflag:s8] =	ssyncset.s32 @!p0 $0xFFFFF086;
	s6 =	sadd.s32 @!p0 s3, s7;
	s7 =	simm.s32 @!p0 $0x108  }
0x21: {  	s3 =	sadd.s32 s3, s9;
	s6 =	sadd.s32 @!p0 $0x88, s6;
	s7 =	simm.s32 @p2 $0x1082  }
0x22: {  	[simem:s7], [sflag:s8] =	dma.local @!p0 [hbm:s6], $0xF7A  }
0x23: {  	s9 =	sor.u32 $0xD0000000, s2;
	s6 =	simm.s32 $0x108;
	_ =	swait.ge @!p0 [sflag:s8], $0x0  }
0x24: {  	s3 =	sadd.s32 $0x88, s3;
	s6 =	simm.s32 @!p1 $0x1082;
	[sflag:s4] =	ssyncset.s32 $0xFFFFF086  }
0x25: {  	[simem:s6], [sflag:s4] =	dma.local [hbm:s3], $0xF7A  }
0x26: {  	[smem:$0x3F9B] =	sst s1;
	(tag) =	ssettag s2;
	_ =	strace s9  }
0x27: {  	s1 =	sld [smem:$0x3FAB]  }
0x28: {  	s2 =	sld [smem:$0x3FAC]  }
0x29: {  	s4 =	sld [smem:$0x3FAE]  }
0x2a: {  	p0 =	seq.s32 s5, $0x0;
	s5 =	sld [smem:$0x3FAF]  }
0x2b: {  	s6 =	sld [smem:$0x3FB0]  }
0x2c: {  	s7 =	sld [smem:$0x3FB1]  }
0x2d: {  	s3 =	simm.s32 $0x108;
	s8 =	sld [smem:$0x3FB2]  }
0x2e: {  	s3 =	simm.s32 @!p0 $0x1082;
	s9 =	sld [smem:$0x3FB3]  }
0x2f: {  	lr =	sadd.s32 s0, s3;
	s0 =	sld [smem:$0x3FAA]  }
0x30: {  	s3 =	sld [smem:$0x3FAD]  }
0x31: {  	[smem:$0x3FB6] =	sst s10  }
0x32: {  	s10 =	sld [smem:$0x3FB4];
	_ =	sdelay $0x3  }
0x33: {  	p0 =	seq.s32 s10, $0x1;
	s10 =	sld [smem:$0x3FB6];
	_ =	sdelay $0x3  }
0x34: {  	[smem:$0x3FB6] =	sst s10  }
0x35: {  	s10 =	sld [smem:$0x3FB5];
	_ =	sdelay $0x3  }
0x36: {  	p1 =	seq.s32 s10, $0x1;
	s10 =	sld [smem:$0x3FB6];
	_ =	sdelay $0x3  }
0x37: {  	[smem:$0x3FB6] =	sst s10  }
0x38: {  	s10 =	sld [smem:$0x3FB7]  }
0x39: {  	_ = 	snop;
	(pc) =	sbr.ind lr, $3  }
0x3a: {  	_ = 	snop  }
0x3b: {  	_ = 	snop  }
0x3c: {  	p2 =	seq.s32 s10, $0x1;
	s10 =	sld [smem:$0x3FB6]  }
0x3d: {  	_ =	shalt  }
0x3e: {  	_ =	shalt  }
0x3f: {  	_ =	shalt  }
0x40: {  	_ =	shalt  }
0x41: {  	_ =	shalt  }
0x42: {  	_ =	shalt  }
0x43: {  	_ =	shalt  }
0x44: {  	_ =	shalt  }
0x45: {  	_ =	shalt  }
0x46: {  	_ =	shalt  }
0x47: {  	_ =	shalt  }
0x48: {  	_ =	shalt  }
0x49: {  	_ =	shalt  }
0x4a: {  	_ =	shalt  }
0x4b: {  	_ =	shalt  }
0x4c: {  	_ =	shalt  }
0x4d: {  	_ =	shalt  }
0x4e: {  	_ =	shalt  }
0x4f: {  	_ =	shalt  }
0x50: {  	_ =	shalt  }
0x51: {  	_ =	shalt  }
0x52: {  	_ =	shalt  }
0x53: {  	_ =	shalt  }
0x54: {  	_ =	shalt  }
0x55: {  	_ =	shalt  }
0x56: {  	_ =	shalt  }
0x57: {  	_ =	shalt  }
0x58: {  	_ =	shalt  }
0x59: {  	_ =	shalt  }
0x5a: {  	_ =	shalt  }
0x5b: {  	_ =	shalt  }
0x5c: {  	_ =	shalt  }
0x5d: {  	_ =	shalt  }
0x5e: {  	_ =	shalt  }
0x5f: {  	_ =	shalt  }
0x60: {  	_ =	shalt  }
0x61: {  	_ =	shalt  }
0x62: {  	_ =	shalt  }
0x63: {  	_ =	shalt  }
0x64: {  	_ =	shalt  }
0x65: {  	_ =	shalt  }
0x66: {  	_ =	shalt  }
0x67: {  	_ =	shalt  }
0x68: {  	_ =	shalt  }
0x69: {  	_ =	shalt  }
0x6a: {  	_ =	shalt  }
0x6b: {  	_ =	shalt  }
0x6c: {  	_ =	shalt  }
0x6d: {  	_ =	shalt  }
0x6e: {  	_ =	shalt  }
0x6f: {  	_ =	shalt  }
0x70: {  	_ =	shalt  }
0x71: {  	_ =	shalt  }
0x72: {  	_ =	shalt  }
0x73: {  	_ =	shalt  }
0x74: {  	_ =	shalt  }
0x75: {  	_ =	shalt  }
0x76: {  	_ =	shalt  }
0x77: {  	_ =	shalt  }
0x78: {  	_ =	shalt  }
0x79: {  	_ =	shalt  }
0x7a: {  	_ =	shalt  }
0x7b: {  	_ =	shalt  }
0x7c: {  	_ =	shalt  }
0x7d: {  	_ =	shalt  }
0x7e: {  	_ =	shalt  }
0x7f: {  	_ =	shalt  }
0x80: {  	_ =	shalt  }
0x81: {  	_ =	shalt  }
0x82: {  	_ =	shalt  }
0x83: {  	_ =	shalt  }
0x84: {  	_ =	shalt  }
0x85: {  	_ =	shalt  }
0x86: {  	_ =	shalt  }
0x87: {  	_ =	shalt  }
.Lfunc_end0:
.L_simem_size_0:
called_computation_lowered:
.L_overlay_start_0:
0x88: {  	s2 =	sld [smem:$0x3FD9]  }
0x89: {  	s3 =	sld [smem:$0x3FFE];
	_ =	sdelay $0x1  }
0x8a: {  	s1 =	srdreg.scid  }
0x8b: {  	s0 =	sand.u32 $0x1, s1  }
0x8c: {  	s16 =	sshll.u32 s0, $0xA;
	s2 =	sadd.s32 s3, s2  }
0x8d: {  	s2 =	sadd.s32 s2, s16  }
0x8e: {  	[smem:$0x3FC2] =	sst s2  }
0x8f: {  	_ = 	snop  }
0x90: {  	(tm) =	ssettm $0x1  }
0x91: {  	s17 =	sld [smem:$0x3FFB];
	_ =	sdelay $0x3  }
0x92: {  	_ =	strace s17  }
0x93: {  	s2 =	sld [smem:$0x3FFC];
	_ =	sdelay $0x3  }
0x94: {  	_ =	strace s2  }
0x95: {  	s2 =	sld [smem:$0x3FFD];
	_ =	sdelay $0x3  }
0x96: {  	_ =	strace s2  }
0x97: {  	_ =	strace $0x8FFFFFFF  }
0x98: {  	s18 =	sld [smem:$0x3FDB];
	_ =	sdelay $0x1  }
0x99: {  	s19 =	simm.s32 $_scs_section_size  }
0x9a: {  	s4 =	simm.s32 $_size__tile_overlayer_lowered;
	s5 =	simm.s32 $_tile_overlayer_lowered  }
0x9b: {  	s22 =	simm.s32 $0x1BFF;
	s21 =	sshll.u32 s5, $0x1;
	s2 =	sadd.s32 s19, s18  }
0x9c: {  	s6 =	simm.s32 $0x0;
	s20 =	sshll.u32 s4, $0x1;
	s4 =	sadd.s32 s21, s2  }
0x9d: {  	[timem:s6], [sflag:s22] =	dma.local [hbm:s4], s20  }
0x9e: {  	_ =	swait.ge [sflag:s22], s20  }
0x9f: {  	s3 =	ssub.s32 $0x0, s20;
	[sflag:s22] =	ssyncset.done $0x0  }
0xa0: {  	[sflag:s22] =	ssyncadd.s32 s3;
	_ =	sdelay $0x1  }
0xa1: {  	s23 =	simm.s32 $0x1B8B  }
0xa2: {  	_ =	swait.ge [sflag:s23], $0x1  }
0xa3: {  	[sflag:s23] =	ssyncset.done $0x0  }
0xa4: {  	s25 =	simm.s32 $0x1B8E;
	s24 =	sld [smem:$0x3FFE];
	[sflag:s23] =	ssyncadd.s32 $0xFFFFFFFF  }
0xa5: {  	s26 =	simm.s32 $execute0_lowered;
	[smem:$0x3FD2] =	sst s25  }
0xa6: {  	s4 =	sshll.u32 s26, $0x1;
	_ =	strace $0x80000046;
	[dreg:$0x1] =	wrdreg $0xFFFFFFFF  }
0xa7: {  	s28 =	simm.s32 $_size_execute0_lowered;
	s2 =	sadd.s32 s2, s4;
	[dreg:$0x0] =	wrdreg $0x0  }
0xa8: {  	s4 =	sshll.u32 s28, $0x1;
	[dreg:$0x2] =	wrdreg s2  }
0xa9: {  	[dreg:$0x3] =	wrdreg s4  }
0xaa: {  	[dreg:$0x4] =	wrdreg $0xC0  }
0xab: {  	_ =	task [dreg:s6], $0x5FFFF  }
0xac: {  	[dreg:$0x1] =	wrdreg $0xFFFFFFFF  }
0xad: {  	[dreg:$0x0] =	wrdreg $0x60  }
0xae: {  	[dreg:$0x2] =	wrdreg s24  }
0xaf: {  	[dreg:$0x3] =	wrdreg $0x68000  }
0xb0: {  	[dreg:$0x4] =	wrdreg $0x9  }
0xb1: {  	_ =	task.clear_ibuf [dreg:s6], $0x5FFFF;
	_ =	strace $0x90000046  }
0xb2: {  	s29 =	simm.s32 $0x9;
	_ =	strace $0x80000048  }
0xb3: {  	_ =	swait.ge [sflag:s29], $0x1  }
0xb4: {  	[sflag:s29] =	ssyncadd.s32 $0xFFFFFFFF  }
0xb5: {  	_ =	strace $0x90000048  }
0xb6: {  	_ =	sfence  }
0xb7: {  	s30 =	sld [smem:$0x0];
	_ =	sdelay $0x2  }
0xb8: {  	s31 =	sshll.u32 s1, $0xD;
	s1 =	sshrl.u32 s1, $0x2  }
0xb9: {  	s3 =	sand.u32 $0x4000, s31;
	s1 =	sadd.s32 s1, s30  }
0xba: {  	s0 =	sor.u32 s3, s0;
	s1 =	sshll.u32 s1, $0x11  }
0xbb: {  	s0 =	sor.u32 s1, s0  }
0xbc: {  	s0 =	sadd.s32 $0x8F2B, s0  }
0xbd: {  	[sflag:s0] =	ssyncadd.remote.s32 $0x1  }
0xbe: {  	_ =	sfence.sel $0xFFFF  }
0xbf: {  	[dreg:$0x0] =	wrdreg $0xFFFFFFFF;
	(pc) =	sbr.abs _section_cstart, $3  }
0xc0: {  	[dreg:$0x1] =	wrdreg $0xFFFFFFFF  }
0xc1: {  	_ =	task.clear_ibuf [dreg:s6], $0x2FFFF;
	_ =	strace $0x9FFFFFFF  }
0xc2: {  	(tm) =	ssettm $0x7FFFFFFF  }
0xc3: {  	_ =	shalt  }
tec
execute0_lowered:
.L_overlay_start_1:
0x0: {  	(tag) =	ssettag $0x1  }
0x1: {  	s1 =	srdreg.scid;
	s6 =	rddreg [dreg:$0x0]  }
0x2: {  	s0 =	stileid.u32;
	s2 =	rddreg [dreg:$0x1]  }
0x3: {  	s3 =	simm.s32 $0x0;
	s13 =	simm.s32 $0x1;
	s14 =	smul.u32 $0x2800, s0  }
0x4: {  	s5 =	sand.u32 $0x1, s1;
	s29 =	sshll.u32 s0, $0x1;
	s9 =	smul.u32 $0x50000, s0  }
0x5: {  	[smem:$0x7FF] =	sst s3;
	s1 =	sor.u32 s5, s29;
	s7 =	smul.u32 $0x28000, s5  }
0x6: {  	s31 =	sshll.u32 s0, $0x6;
	s5 =	ssub.s32 $0x2, s5;
	s4 =	smul.u32 $0x500, s1  }
0x7: {  	s1 =	rddreg [dreg:$0x2];
	_ =	strace $0x80000047;
	s10 =	sadd.s32 s14, s6  }
0x8: {  	s30 =	sshrl.u32 s5, $0x1;
	s9 =	sshrl.u32 s9, $0x2;
	s7 =	sadd.s32 s7, s6  }
0x9: {  	s11 =	ssub.s32 s5, s30;
	s12 =	sadd.s32 s9, s2;
	s5 =	sadd.s32 $0xD200, s10  }
0xa: {  	s9 =	simm.s32 $0x2;
	s10 =	sor.u32 $0x1C02, s31;
	s8 =	sadd.s32 s4, s6  }
0xb: {  	s4 =	sadd.s32 $0xCA00, s6;
	s15 =	sadd.s32 $0x35200, s7;
	s7 =	smax.u32 s11, $0x1  }
0xc: {  	s11 =	sshrl.u32 s12, $0x3;
	s12 =	simm.s32 $0x80;
	s6 =	sadd.s32 $0x2A00, s8  }
0xd: {  	s8 =	simm.s32 $0x2800;
	s14 =	sadd.s32 s14, s15;
	s15 =	simm.s32 $0x0  }
.LBB2_1:
0xe: {  	[tilespmem:s8], [sflag:$0x2] =	stream.linear.gather [hbm4b:s4+s3], $0x4000, $0x38;
	[tilespmem:$0x1A800] =	vst v63  }
0xf: {  	_ =	swait.ge [sflag:s9], $0x4000  }
0x10: {  	[sflag:s9] =	ssyncset.done $0x0  }
0x11: {  	[sflag:s9] =	ssyncadd.s32 $0xFFFFC000  }
0x12: {  	[spmem:s11], [sflag:s10] =	dma.local [hbm:s5], $0x2800  }
0x13: {  	_ =	swait.ge [sflag:s9], $0x2800  }
0x14: {  	[sflag:s9] =	ssyncset.done $0x0  }
0x15: {  	[sflag:s9] =	ssyncadd.s32 $0xFFFFD800  }
0x16: {  	[tilespmem:s3], [sflag:$0x2] =	stream.linear.gather [hbm4b:s6+s3], $0x2800, $0x38;
	[tilespmem:$0x1A800] =	vst v63  }
0x17: {  	_ =	swait.ge [sflag:s9], $0x2800  }
0x18: {  	[sflag:s9] =	ssyncset.done $0x0  }
0x19: {  	[sflag:s9] =	ssyncadd.s32 $0xFFFFD800  }
0x1a: {  	s16 =	simm.s32 $0x0;
	[bflag:$0x0] =	sbarrier.arrive $0xFFFF  }
.LBB2_2:
0x1b: {  	p0 =	sne.s32 s16, $0x9E00  }
.Ltmp0:
0x1c: {  	_ = 	snop;
	(pc) =	sbr.rel @p0 .LBB2_2-.Ltmp0, $3  }
0x1d: {  	_ =	sdelay $0x1  }
0x1e: {  	s17 =	sshra.s32 s16, $0x2;
	s16 =	sadd.s32 $0x200, s16  }
0x1f: {  	[spmem:s2] =	stream.indirect.scatter.add.f32 [tilespmem:s8], [sflag:$0x1], $0x80, s17, s12, $0xb8;
	[tilespmem:$0x1A800] =	vst v63  }
0x20: {  	_ =	swait.ge [sflag:s13], $0x4000  }
0x21: {  	s16 =	simm.s32 $0x4F;
	[sflag:s13] =	ssyncset.done $0x0  }
.LBB2_4:
0x22: {  	p0 =	sne.s32 s16, $0x1;
	s16 =	sadd.s32 $0xFFFFFFFF, s16;
	[sflag:s13] =	ssyncadd.s32 $0xFFFFC000  }
.Ltmp1:
0x23: {  	(pc) =	sbr.rel @p0 .LBB2_4-.Ltmp1, $3  }
0x24: {  	_ =	sdelay $0x1  }
0x25: {  	_ =	swait.ge [sflag:s13], $0x4000  }
0x26: {  	[sflag:s13] =	ssyncset.done $0x0  }
0x27: {  	s15 =	sadd.s32 $0x1, s15  }
0x28: {  	[sflag:s13] =	ssyncadd.s32 $0xFFFFC000;
	p0 =	sne.s32 s15, s7  }
.Ltmp2:
0x29: {  	[bflag:$0x0] =	sbarrier.arrive $0xFFFF;
	(pc) =	sbr.rel @p0 .LBB2_1-.Ltmp2, $4  }
0x2a: {  	[hbm:s14], [sflag:s10] =	dma.local [spmem:s11], $0x2800  }
0x2b: {  	_ =	swait.ge [sflag:s9], $0x2800  }
0x2c: {  	[sflag:s9] =	ssyncset.done $0x0  }
0x2d: {  	[sflag:s9] =	ssyncadd.s32 $0xFFFFD800  }
0x2e: {  	_ =	sfence.sel $0x180000  }
0x2f: {  	[bflag:$0x0] =	sbarrier.arrive $0xFFFF  }
0x30: {  	p0 =	sne.s32 s0, $0x0;
	_ =	strace $0x90000047  }
0x31: {  	s0 =	sadd.s32 @!p0 $0x100000, s1;
	[bflag:$0x2] =	sbarrier.arrive $0xFFFF  }
0x32: {  	[sflag:s0] =	ssyncadd.tile.s32 @!p0 $0x1;
	_ =	shalt  }
.Lfunc_end2:
_tile_overlayer_lowered:
.L_overlay_start_2:
0x33: {  	(tag) =	ssettag $0x2  }
0x34: {  	s0 =	rddreg [dreg:$0x0];
	s2 =	stileid.u32  }
0x35: {  	s1 =	rddreg [dreg:$0x1];
	p0 =	sne.s32 s2, $0x0  }
0x36: {  	s3 =	rddreg [dreg:$0x2];
	[bflag:$0x3] =	sbarrier.arrive $0xFFFF;
	s2 =	simm.s32 @!p0 $0x1C02  }
0x37: {  	[timem:s3], [sflag:s2] =	dma.local @!p0 [hbm:s0], s1  }
0x38: {  	s0 =	simm.s32 @!p0 $0x2  }
0x39: {  	_ =	swait.ge @!p0 [sflag:s0], s1  }
0x3a: {  	s1 =	ssub.s32 @!p0 $0x0, s1;
	[sflag:s0] =	ssyncset.done @!p0 $0x0  }
0x3b: {  	[sflag:s0] =	ssyncadd.s32 @!p0 s1  }
0x3c: {  	[bflag:$0x3] =	sbarrier.arrive $0xFFFF  }
0x3d: {  	_ =	shalt  }

</sc_bundles>
